<compile_context>
chip_gen: v7x
topology: tpu7x:2x2x1
jax: 0.10.2.dev20260603
libtpu: 0.0.44.dev20260713+nightly
codegen_flags: <defaults>
</compile_context>

<pallas_src>
import functools

import jax
import jax.numpy as jnp
from jax import lax
from jax.experimental import pallas as pl
from jax.experimental.pallas import tpu as pltpu
from jax.experimental.pallas import tpu_sc as plsc

_D = 768
_T = 32
_K = 5
_GPB = 64
_RB = _GPB * _T
_NEG = -1e9


def _fused(wo_ref, x_ref, w1_ref, b1_ref, w2_ref, b2_ref,
           sc_ref, attn_ref, keep_ref, idx_ref, fidx_ref):
    wo = wo_ref[...].reshape(_RB, _D)
    h = jnp.tanh(
        jax.lax.dot_general(
            wo, w1_ref[...], (((1,), (1,)), ((), ())),
            preferred_element_type=jnp.float32) + b1_ref[...])
    sT = jax.lax.dot_general(
        w2_ref[...], h, (((1,), (1,)), ((), ())),
        preferred_element_type=jnp.float32)
    sCol = jnp.transpose(sT)
    rr = jax.lax.broadcasted_iota(jnp.int32, (_RB, _T), 0)
    ll = jax.lax.broadcasted_iota(jnp.int32, (_RB, _T), 1)
    sd = jnp.where((rr % _T) == ll, jnp.broadcast_to(sCol, (_RB, _T)), 0.0)
    s2 = jnp.sum(sd.reshape(_GPB, _T, _T), axis=1) + b2_ref[0, 0]
    pad = x_ref[...].reshape(_GPB, _T) == 0
    sm = jnp.where(pad, _NEG, s2)
    sc_ref[...] = sm.reshape(1, _GPB, _T)
    mx = jnp.max(sm, axis=1, keepdims=True)
    ex = jnp.exp(sm - mx)
    attn_ref[...] = (ex / jnp.sum(ex, axis=1, keepdims=True)).reshape(1, _GPB, _T)

    it = jax.lax.broadcasted_iota(jnp.int32, (_GPB, _T), 1)
    work = sm
    keep = jnp.zeros((_GPB, _T), jnp.float32)
    cols = []
    for _ in range(_K):
        mj = jnp.max(work, axis=1, keepdims=True)
        aj = jnp.min(jnp.where(work == mj, it, _T), axis=1, keepdims=True)
        hit = it == aj
        keep = jnp.where(hit, 1.0, keep)
        work = jnp.where(hit, -jnp.inf, work)
        cols.append(aj)
    idx_ref[...] = jnp.concatenate(cols, axis=1).reshape(1, _GPB, _K)
    keep_ref[...] = jnp.where(pad, 0.0, keep).reshape(1, _GPB, _T)

    idxcat = jnp.concatenate(cols, axis=1)
    fl4 = jnp.concatenate(
        [jnp.concatenate([idxcat[16 * w + g:16 * w + g + 1, :] for g in range(16)],
                         axis=1) for w in range(4)], axis=0)
    rr4 = jax.lax.broadcasted_iota(jnp.int32, (4, 16 * _K), 0)
    ll80 = jax.lax.broadcasted_iota(jnp.int32, (4, 16 * _K), 1)
    fidx = fl4 + pl.program_id(0) * _RB + (rr4 * 16 + ll80 // _K) * _T
    fidx_ref[...] = fidx.reshape(4, 1, 16 * _K)


def _copy(wo_ref, filt_ref):
    filt_ref[...] = wo_ref[...]


_GW = 16
_NW = 32


def _sc_gather_body(table_hbm, fidx_hbm, out_hbm, idx_v, rows_v, sem):
    wid = lax.axis_index("s") * 2 + lax.axis_index("c")
    g0 = wid * _GW
    pltpu.sync_copy(fidx_hbm.at[wid, 0, pl.ds(0, _GW * _K)], idx_v)
    pltpu.async_copy(table_hbm.at[idx_v], rows_v, sem).wait()
    pltpu.sync_copy(rows_v, out_hbm.at[pl.ds(g0 * _K, _GW * _K)])


def _sc_gather(table, fidx):
    kfn = functools.partial(
        pl.kernel,
        mesh=plsc.VectorSubcoreMesh(core_axis_name="c", subcore_axis_name="s"),
        out_type=jax.ShapeDtypeStruct((_NW * _GW * _K, _D), jnp.float32),
        scratch_types=[
            pltpu.VMEM((_GW * _K,), jnp.int32),
            pltpu.VMEM((_GW * _K, _D), jnp.float32),
            pltpu.SemaphoreType.DMA,
        ],
    )(_sc_gather_body)
    return kfn(table, fidx)


def kernel(word_out, x, W1, b1, W2, b2):
    B, S, T, D = word_out.shape
    x3 = x.astype(jnp.int32)
    b1r = b1.reshape(1, D)
    b2r = b2.reshape(1, 1)

    sc, attn, keep, idx, fidx = pl.pallas_call(
        _fused,
        grid=(B,),
        in_specs=[
            pl.BlockSpec((1, S, T, D), lambda i: (i, 0, 0, 0)),
            pl.BlockSpec((1, S, T), lambda i: (i, 0, 0)),
            pl.BlockSpec((D, D), lambda i: (0, 0)),
            pl.BlockSpec((1, D), lambda i: (0, 0)),
            pl.BlockSpec((1, D), lambda i: (0, 0)),
            pl.BlockSpec((1, 1), lambda i: (0, 0)),
        ],
        out_specs=[
            pl.BlockSpec((1, S, T), lambda i: (i, 0, 0)),
            pl.BlockSpec((1, S, T), lambda i: (i, 0, 0)),
            pl.BlockSpec((1, S, T), lambda i: (i, 0, 0)),
            pl.BlockSpec((1, S, _K), lambda i: (i, 0, 0)),
            pl.BlockSpec((4, 1, 16 * _K), lambda i: (i, 0, 0)),
        ],
        out_shape=[
            jax.ShapeDtypeStruct((B, S, T), jnp.float32),
            jax.ShapeDtypeStruct((B, S, T), jnp.float32),
            jax.ShapeDtypeStruct((B, S, T), jnp.float32),
            jax.ShapeDtypeStruct((B, S, _K), jnp.int32),
            jax.ShapeDtypeStruct((_NW, 1, 16 * _K), jnp.int32),
        ],
    )(word_out, x3, W1, b1r, W2, b2r)

    filt = pl.pallas_call(
        _copy,
        grid=(B,),
        in_specs=[pl.BlockSpec((1, S, T, D), lambda i: (i, 0, 0, 0))],
        out_specs=pl.BlockSpec((1, S, T, D), lambda i: (i, 0, 0, 0)),
        out_shape=jax.ShapeDtypeStruct((B, S, T, D), jnp.float32),
    )(word_out)
    tv2 = _sc_gather(word_out.reshape(B * S * T, D), fidx)
    return (filt, sc, keep, attn, idx, tv2.reshape(B, S, _K, D))

# --- scband reference (transcript-rebuilt; emitter-appended) ---
"""Pipeline reference for scband-word-filter-self-attention-61280593379536 (READ-ONLY COPY).

The authoritative reference and input builder live on the scoring server;
editing this copy changes nothing except your own understanding.
"""

import jax, jax.numpy as jnp
import numpy as np

DIM = 768
PAD_ID = 0
TOPK = 5

def setup_inputs(seed: int = 0) -> dict:
    key = jax.random.key(seed)
    k1, k2, k3, k4, k5, k6 = jax.random.split(key, 6)
    B, S, T, D = 8, 64, 32, DIM
    word_out = jax.random.normal(k1, (B, S, T, D), dtype=jnp.float32)
    x = jax.random.randint(k2, (B, S, T), 0, 100, dtype=jnp.int64)
    lim1 = 1.0 / np.sqrt(D)
    W1 = jax.random.uniform(k3, (D, D), dtype=jnp.float32, minval=-lim1, maxval=lim1)
    b1 = jax.random.uniform(k4, (D,), dtype=jnp.float32, minval=-lim1, maxval=lim1)
    W2 = jax.random.uniform(k5, (1, D), dtype=jnp.float32, minval=-lim1, maxval=lim1)
    b2 = jax.random.uniform(k6, (1,), dtype=jnp.float32, minval=-lim1, maxval=lim1)
    return {"word_out": word_out, "x": x, "W1": W1, "b1": b1, "W2": W2, "b2": b2}

def reference(word_out, x, W1, b1, W2, b2):
    B, S, T, D = word_out.shape
    pad_mask = (x == PAD_ID)
    h = jnp.tanh(jnp.einsum('bstd,ed->bste', word_out, W1) + b1)
    scores = (jnp.einsum('bste,oe->bsto', h, W2) + b2).squeeze(-1)
    scores = jnp.where(pad_mask, jnp.float32(-1e9), scores)
    attn = jax.nn.softmax(scores, axis=-1)
    k = min(TOPK, T)
    _, topk_idx = jax.lax.top_k(scores, k)
    bi = jnp.arange(B)[:, None, None]
    si = jnp.arange(S)[None, :, None]
    keep_mask = jnp.zeros((B, S, T), dtype=jnp.float32).at[bi, si, topk_idx].set(1.0)
    keep_mask = jnp.where(pad_mask, 0.0, keep_mask)
    idx_expanded = jnp.broadcast_to(topk_idx[..., None], (B, S, k, D))
    top_word_vecs = jnp.take_along_axis(word_out, idx_expanded, axis=2)
    km = keep_mask[..., None]
    filtered_word_out = word_out * km + jax.lax.stop_gradient(word_out) * (1.0 - km)
    return (filtered_word_out, scores, keep_mask, attn, topk_idx, top_word_vecs)

if __name__ == "__main__":
    import jax
    _d = setup_inputs()
    print(jax.jit(kernel)(*tuple(_d.values())))

</pallas_src>

<mosaic_0001>
#map = affine_map<(d0, d1) -> (0, 0)>
#map1 = affine_map<(d0, d1) -> (0, 0, 0)>
module attributes {stable_mosaic.version = 14 : i64} {
  func.func @_sc_gather_body(%arg0: i32, %arg1: i32, %arg2: memref<16384x768xf32, #tpu.memory_space<hbm>>, %arg3: memref<32x1x80xi32, #tpu.memory_space<hbm>>, %arg4: memref<2560x768xf32, #tpu.memory_space<hbm>>, %arg5: memref<80xi32, #tpu.memory_space<vmem>>, %arg6: memref<80x768xf32, #tpu.memory_space<vmem>>, %arg7: memref<!tpu.dma_semaphore, #tpu.memory_space<semaphore_mem>>) attributes {dimension_semantics = [#tpu.dimension_semantics<core_parallel>, #tpu.dimension_semantics<subcore_parallel>], iteration_bounds = array<i64: 2, 16>, scalar_prefetch = 0 : i64, scratch_operands = 3 : i64, tpu.core_type = #tpu.core_type<sc_vector_subcore>, window_params = [{transform_indices = #map}, {transform_indices = #map1}, {transform_indices = #map}]} {
    %mul3A = arith.constant 2 : i32
    %mul3A_0 = arith.muli %arg1, %mul3A : i32
    %add3A = arith.addi %mul3A_0, %arg0 : i32
    %mul3A_1 = arith.constant 16 : i32
    %mul3A_2 = arith.muli %add3A, %mul3A_1 : i32
    %run_scoped3A = arith.constant 0 : i32
    "tpu.region"() ({
      %run_scoped3A_9 = tpu.sem_alloc : memref<!tpu.dma_semaphore, #tpu.memory_space<semaphore_mem>>
      %dma_start3A_10 = arith.constant 0 : i32
      %dma_start3A_11 = tpu.memref_slice %arg3[%add3A, %run_scoped3A, %dma_start3A_10] : memref<32x1x80xi32, #tpu.memory_space<hbm>> -> memref<1x1x80xi32, #tpu.memory_space<hbm>>
      %dma_start3A_12 = tpu.memref_squeeze %dma_start3A_11 : memref<1x1x80xi32, #tpu.memory_space<hbm>> -> memref<80xi32, #tpu.memory_space<hbm>>
      %dma_start3A_13 = arith.constant 0 : i32
      %dma_start3A_14 = tpu.memref_slice %arg3[%add3A, %run_scoped3A, %dma_start3A_13] : memref<32x1x80xi32, #tpu.memory_space<hbm>> -> memref<1x1x80xi32, #tpu.memory_space<hbm>>
      %dma_start3A_15 = tpu.memref_squeeze %dma_start3A_14 : memref<1x1x80xi32, #tpu.memory_space<hbm>> -> memref<80xi32, #tpu.memory_space<hbm>>
      tpu.enqueue_dma source(%dma_start3A_15 : memref<80xi32, #tpu.memory_space<hbm>>) target(%arg5 : memref<80xi32, #tpu.memory_space<vmem>>) target_semaphore(%run_scoped3A_9 : memref<!tpu.dma_semaphore, #tpu.memory_space<semaphore_mem>>)
      %dma_wait3A_16 = arith.constant 0 : i32
      %dma_wait3A_17 = tpu.memref_slice %arg3[%add3A, %run_scoped3A, %dma_wait3A_16] : memref<32x1x80xi32, #tpu.memory_space<hbm>> -> memref<1x1x80xi32, #tpu.memory_space<hbm>>
      %dma_wait3A_18 = tpu.memref_squeeze %dma_wait3A_17 : memref<1x1x80xi32, #tpu.memory_space<hbm>> -> memref<80xi32, #tpu.memory_space<hbm>>
      %dma_wait3A_19 = arith.constant 0 : i32
      %dma_wait3A_20 = tpu.memref_slice %arg3[%add3A, %run_scoped3A, %dma_wait3A_19] : memref<32x1x80xi32, #tpu.memory_space<hbm>> -> memref<1x1x80xi32, #tpu.memory_space<hbm>>
      %dma_wait3A_21 = tpu.memref_squeeze %dma_wait3A_20 : memref<1x1x80xi32, #tpu.memory_space<hbm>> -> memref<80xi32, #tpu.memory_space<hbm>>
      tpu.wait_dma2 semaphore(%run_scoped3A_9 : memref<!tpu.dma_semaphore, #tpu.memory_space<semaphore_mem>>) src(%dma_wait3A_21 : memref<80xi32, #tpu.memory_space<hbm>>) dst(%arg5 : memref<80xi32, #tpu.memory_space<vmem>>)
      tpu.yield
    }) : () -> ()
    %dma_start3A = arith.constant 0 : i32
    %dma_start3A_3 = arith.constant 0 : i32
    %dma_start3A_4 = tpu.memref_slice %arg2[%dma_start3A, %dma_start3A_3] : memref<16384x768xf32, #tpu.memory_space<hbm>> -> memref<16384x768xf32, #tpu.memory_space<hbm>>
    tpu.enqueue_indirect_dma source(%dma_start3A_4 : memref<16384x768xf32, #tpu.memory_space<hbm>>) target(%arg6 : memref<80x768xf32, #tpu.memory_space<vmem>>) offsets(%arg5 : memref<80xi32, #tpu.memory_space<vmem>>) semaphore(%arg7 : memref<!tpu.dma_semaphore, #tpu.memory_space<semaphore_mem>>)
    %dma_wait3A = arith.constant 0 : i32
    %dma_wait3A_5 = arith.constant 0 : i32
    %dma_wait3A_6 = tpu.memref_slice %arg2[%dma_wait3A, %dma_wait3A_5] : memref<16384x768xf32, #tpu.memory_space<hbm>> -> memref<16384x768xf32, #tpu.memory_space<hbm>>
    tpu.wait_indirect_dma semaphore(%arg7 : memref<!tpu.dma_semaphore, #tpu.memory_space<semaphore_mem>>) src(%dma_wait3A_6 : memref<16384x768xf32, #tpu.memory_space<hbm>>) dst(%arg6 : memref<80x768xf32, #tpu.memory_space<vmem>>)
    %mul3A_7 = arith.constant 5 : i32
    %mul3A_8 = arith.muli %mul3A_2, %mul3A_7 : i32
    "tpu.region"() ({
      %run_scoped3A_9 = tpu.sem_alloc : memref<!tpu.dma_semaphore, #tpu.memory_space<semaphore_mem>>
      %dma_start3A_10 = arith.constant 0 : i32
      %dma_start3A_11 = tpu.memref_slice %arg4[%mul3A_8, %dma_start3A_10] : memref<2560x768xf32, #tpu.memory_space<hbm>> -> memref<80x768xf32, #tpu.memory_space<hbm>>
      %dma_start3A_12 = arith.constant 0 : i32
      %dma_start3A_13 = tpu.memref_slice %arg4[%mul3A_8, %dma_start3A_12] : memref<2560x768xf32, #tpu.memory_space<hbm>> -> memref<80x768xf32, #tpu.memory_space<hbm>>
      tpu.enqueue_dma source(%arg6 : memref<80x768xf32, #tpu.memory_space<vmem>>) target(%dma_start3A_13 : memref<80x768xf32, #tpu.memory_space<hbm>>) target_semaphore(%run_scoped3A_9 : memref<!tpu.dma_semaphore, #tpu.memory_space<semaphore_mem>>)
      %dma_wait3A_14 = arith.constant 0 : i32
      %dma_wait3A_15 = tpu.memref_slice %arg4[%mul3A_8, %dma_wait3A_14] : memref<2560x768xf32, #tpu.memory_space<hbm>> -> memref<80x768xf32, #tpu.memory_space<hbm>>
      %dma_wait3A_16 = arith.constant 0 : i32
      %dma_wait3A_17 = tpu.memref_slice %arg4[%mul3A_8, %dma_wait3A_16] : memref<2560x768xf32, #tpu.memory_space<hbm>> -> memref<80x768xf32, #tpu.memory_space<hbm>>
      tpu.wait_dma2 semaphore(%run_scoped3A_9 : memref<!tpu.dma_semaphore, #tpu.memory_space<semaphore_mem>>) src(%arg6 : memref<80x768xf32, #tpu.memory_space<vmem>>) dst(%dma_wait3A_17 : memref<80x768xf32, #tpu.memory_space<hbm>>)
      tpu.yield
    }) : () -> ()
    return
  }
}

module attributes {stable_mosaic.version = 14 : i64} {
  func.func @_copy(%arg0: i32, %arg1: memref<1x64x32x768xf32, #tpu.memory_space<vmem>>, %arg2: memref<1x64x32x768xf32, #tpu.memory_space<vmem>>) attributes {dimension_semantics = [#tpu.dimension_semantics<arbitrary>], iteration_bounds = array<i64: 8>, scalar_prefetch = 0 : i64, scratch_operands = 0 : i64, tpu.core_type = #tpu.core_type<tc>, window_params = [{transform_indices = @transform_0, window_bounds = array<i64: 1, 64, 32, 768>}, {transform_indices = @transform_1, window_bounds = array<i64: 1, 64, 32, 768>}]} {
    %get3A = arith.constant 0 : index
    %get3A_0 = arith.constant 0 : index
    %get3A_1 = arith.constant 0 : index
    %get3A_2 = arith.constant 0 : index
    %get3A_3 = vector.load %arg1[%get3A, %get3A_0, %get3A_1, %get3A_2] : memref<1x64x32x768xf32, #tpu.memory_space<vmem>>, vector<1x64x32x768xf32>
    %swap3A = arith.constant 0 : index
    %swap3A_4 = arith.constant 0 : index
    %swap3A_5 = arith.constant 0 : index
    %swap3A_6 = arith.constant 0 : index
    %swap3A_7 = vector.load %arg2[%swap3A, %swap3A_4, %swap3A_5, %swap3A_6] : memref<1x64x32x768xf32, #tpu.memory_space<vmem>>, vector<1x64x32x768xf32>
    tpu.vector_store %arg2[%swap3A, %swap3A_4, %swap3A_5, %swap3A_6], %get3A_3 {strides = array<i32>} : memref<1x64x32x768xf32, #tpu.memory_space<vmem>>, vector<1x64x32x768xf32>,
    return
  }
  func.func @transform_0(%arg0: i32) -> (i32, i32, i32, i32) {
    %c0_i32 = arith.constant 0 : i32
    %c0_i32_0 = arith.constant 0 : i32
    %c0_i32_1 = arith.constant 0 : i32
    %c0_i32_2 = arith.constant 0 : i32
    return %arg0, %c0_i32, %c0_i32_0, %c0_i32_1 : i32, i32, i32, i32
  }
  func.func @transform_1(%arg0: i32) -> (i32, i32, i32, i32) {
    %c0_i32 = arith.constant 0 : i32
    %c0_i32_0 = arith.constant 0 : i32
    %c0_i32_1 = arith.constant 0 : i32
    %c0_i32_2 = arith.constant 0 : i32
    return %arg0, %c0_i32, %c0_i32_0, %c0_i32_1 : i32, i32, i32, i32
  }
}

module attributes {stable_mosaic.version = 14 : i64} {
  func.func @_fused(%arg0: i32, %arg1: memref<1x64x32x768xf32, #tpu.memory_space<vmem>>, %arg2: memref<1x64x32xi32, #tpu.memory_space<vmem>>, %arg3: memref<768x768xf32, #tpu.memory_space<vmem>>, %arg4: memref<1x768xf32, #tpu.memory_space<vmem>>, %arg5: memref<1x768xf32, #tpu.memory_space<vmem>>, %arg6: memref<1x1xf32, #tpu.memory_space<vmem>>, %arg7: memref<1x64x32xf32, #tpu.memory_space<vmem>>, %arg8: memref<1x64x32xf32, #tpu.memory_space<vmem>>, %arg9: memref<1x64x32xf32, #tpu.memory_space<vmem>>, %arg10: memref<1x64x5xi32, #tpu.memory_space<vmem>>, %arg11: memref<4x1x80xi32, #tpu.memory_space<vmem>>) attributes {dimension_semantics = [#tpu.dimension_semantics<arbitrary>], iteration_bounds = array<i64: 8>, scalar_prefetch = 0 : i64, scratch_operands = 0 : i64, tpu.core_type = #tpu.core_type<tc>, window_params = [{transform_indices = @transform_0, window_bounds = array<i64: 1, 64, 32, 768>}, {transform_indices = @transform_1, window_bounds = array<i64: 1, 64, 32>}, {pipeline_mode = #tpu.pipeline_mode<synchronous>, transform_indices = @transform_2, window_bounds = array<i64: 768, 768>}, {pipeline_mode = #tpu.pipeline_mode<synchronous>, transform_indices = @transform_3, window_bounds = array<i64: 1, 768>}, {pipeline_mode = #tpu.pipeline_mode<synchronous>, transform_indices = @transform_4, window_bounds = array<i64: 1, 768>}, {pipeline_mode = #tpu.pipeline_mode<synchronous>, transform_indices = @transform_5, window_bounds = array<i64: 1, 1>}, {transform_indices = @transform_6, window_bounds = array<i64: 1, 64, 32>}, {transform_indices = @transform_7, window_bounds = array<i64: 1, 64, 32>}, {transform_indices = @transform_8, window_bounds = array<i64: 1, 64, 32>}, {transform_indices = @transform_9, window_bounds = array<i64: 1, 64, 5>}, {transform_indices = @transform_10, window_bounds = array<i64: 4, 1, 80>}]} {
    %get3A = arith.constant 0 : index
    %get3A_0 = arith.constant 0 : index
    %get3A_1 = arith.constant 0 : index
    %get3A_2 = arith.constant 0 : index
    %get3A_3 = vector.load %arg1[%get3A, %get3A_0, %get3A_1, %get3A_2] : memref<1x64x32x768xf32, #tpu.memory_space<vmem>>, vector<1x64x32x768xf32>
    %reshape3A = vector.shape_cast %get3A_3 : vector<1x64x32x768xf32> to vector<2048x768xf32>
    %get3A_4 = arith.constant 0 : index
    %get3A_5 = arith.constant 0 : index
    %get3A_6 = vector.load %arg3[%get3A_4, %get3A_5] : memref<768x768xf32, #tpu.memory_space<vmem>>, vector<768x768xf32>
    %dot_general3A = arith.constant dense<0.000000e+00> : vector<2048x768xf32>
    %dot_general3A_7 = tpu.matmul %reshape3A, %get3A_6, %dot_general3A {dimension_numbers = #tpu.dot_dimension_numbers<[1], [1], [0], [0], [0, 0, 1, 0], [], []>, transpose_lhs_hint = false} : vector<2048x768xf32>, vector<768x768xf32>, vector<2048x768xf32> -> vector<2048x768xf32>
    %get3A_8 = arith.constant 0 : index
    %get3A_9 = arith.constant 0 : index
    %get3A_10 = vector.load %arg4[%get3A_8, %get3A_9] : memref<1x768xf32, #tpu.memory_space<vmem>>, vector<1x768xf32>
    %add3A = vector.broadcast %get3A_10 : vector<1x768xf32> to vector<2048x768xf32>
    %add3A_11 = arith.addf %dot_general3A_7, %add3A : vector<2048x768xf32>
    %tanh3A = math.tanh %add3A_11 : vector<2048x768xf32>
    %get3A_12 = arith.constant 0 : index
    %get3A_13 = arith.constant 0 : index
    %get3A_14 = vector.load %arg5[%get3A_12, %get3A_13] : memref<1x768xf32, #tpu.memory_space<vmem>>, vector<1x768xf32>
    %dot_general3A_15 = arith.constant dense<0.000000e+00> : vector<1x2048xf32>
    %dot_general3A_16 = tpu.matmul %get3A_14, %tanh3A, %dot_general3A_15 {dimension_numbers = #tpu.dot_dimension_numbers<[1], [1], [0], [0], [0, 0, 1, 0], [], []>, transpose_lhs_hint = false} : vector<1x768xf32>, vector<2048x768xf32>, vector<1x2048xf32> -> vector<1x2048xf32>
    %transpose3A = tpu.transpose %dot_general3A_16, [1, 0] : vector<1x2048xf32> -> vector<2048x1xf32>
    %iota3A = tpu.iota {dimensions = array<i32: 0>} : vector<2048x32xi32>
    %iota3A_17 = tpu.iota {dimensions = array<i32: 1>} : vector<2048x32xi32>
    %jit3A = arith.constant 32 : i32
    %eq3A = arith.constant 0 : i32
    %eq3A_18 = arith.cmpi eq, %jit3A, %eq3A : i32
    %jit3A_19 = arith.constant 1 : i32
    %select_n3A = arith.select %eq3A_18, %jit3A_19, %jit3A : i32
    %rem3A = vector.broadcast %select_n3A : i32 to vector<2048x32xi32>
    %rem3A_20 = arith.remsi %iota3A, %rem3A : vector<2048x32xi32>
    %ne3A = arith.constant 0 : i32
    %ne3A_21 = vector.broadcast %ne3A : i32 to vector<2048x32xi32>
    %ne3A_22 = arith.cmpi ne, %rem3A_20, %ne3A_21 : vector<2048x32xi32>
    %lt3A = arith.constant 0 : i32
    %lt3A_23 = vector.broadcast %lt3A : i32 to vector<2048x32xi32>
    %lt3A_24 = arith.cmpi slt, %rem3A_20, %lt3A_23 : vector<2048x32xi32>
    %lt3A_25 = arith.constant 0 : i32
    %lt3A_26 = arith.cmpi slt, %select_n3A, %lt3A_25 : i32
    %ne3A_27 = vector.broadcast %lt3A_26 : i1 to vector<2048x32xi1>
    %ne3A_28 = vector.broadcast %ne3A_27 : vector<2048x32xi1> to vector<2048x32xi1>
    %ne3A_29 = arith.xori %lt3A_24, %ne3A_28 : vector<2048x32xi1>
    %and3A = arith.andi %ne3A_29, %ne3A_22 : vector<2048x32xi1>
    %add3A_30 = vector.broadcast %select_n3A : i32 to vector<2048x32xi32>
    %add3A_31 = arith.addi %rem3A_20, %add3A_30 : vector<2048x32xi32>
    %select_n3A_32 = arith.select %and3A, %add3A_31, %rem3A_20 : vector<2048x32xi1>, vector<2048x32xi32>
    %eq3A_33 = arith.cmpi eq, %select_n3A_32, %iota3A_17 : vector<2048x32xi32>
    %broadcast_in_dim3A = vector.shape_cast %transpose3A : vector<2048x1xf32> to vector<2048x1xf32>
    %broadcast_in_dim3A_34 = vector.broadcast %broadcast_in_dim3A : vector<2048x1xf32> to vector<2048x32xf32>
    %jit3A_35 = arith.constant 0.000000e+00 : f32
    %broadcast_in_dim3A_36 = vector.broadcast %jit3A_35 : f32 to vector<2048x32xf32>
    %select_n3A_37 = arith.select %eq3A_33, %broadcast_in_dim3A_34, %broadcast_in_dim3A_36 : vector<2048x32xi1>, vector<2048x32xf32>
    %reshape3A_38 = vector.shape_cast %select_n3A_37 : vector<2048x32xf32> to vector<64x32x32xf32>
    %reduce_sum3A = arith.constant dense<0.000000e+00> : vector<64x32xf32>
    %reduce_sum3A_39 = vector.multi_reduction <add>, %reshape3A_38, %reduce_sum3A [1] : vector<64x32x32xf32> to vector<64x32xf32>
    %get3A_40 = arith.constant 0 : index
    %get3A_41 = arith.constant 0 : index
    %get3A_42 = vector.load %arg6[%get3A_40, %get3A_41] : memref<1x1xf32, #tpu.memory_space<vmem>>, vector<1x1xf32>
    %get3A_43 = vector.extract %get3A_42[0, 0] : f32 from vector<1x1xf32>
    %add3A_44 = vector.broadcast %get3A_43 : f32 to vector<64x32xf32>
    %add3A_45 = arith.addf %reduce_sum3A_39, %add3A_44 : vector<64x32xf32>
    %get3A_46 = arith.constant 0 : index
    %get3A_47 = arith.constant 0 : index
    %get3A_48 = arith.constant 0 : index
    %get3A_49 = vector.load %arg2[%get3A_46, %get3A_47, %get3A_48] : memref<1x64x32xi32, #tpu.memory_space<vmem>>, vector<1x64x32xi32>
    %reshape3A_50 = vector.shape_cast %get3A_49 : vector<1x64x32xi32> to vector<64x32xi32>
    %eq3A_51 = arith.constant 0 : i32
    %eq3A_52 = vector.broadcast %eq3A_51 : i32 to vector<64x32xi32>
    %eq3A_53 = arith.cmpi eq, %reshape3A_50, %eq3A_52 : vector<64x32xi32>
    %jit3A_54 = arith.constant -1.000000e+09 : f32
    %broadcast_in_dim3A_55 = vector.broadcast %jit3A_54 : f32 to vector<64x32xf32>
    %select_n3A_56 = arith.select %eq3A_53, %broadcast_in_dim3A_55, %add3A_45 : vector<64x32xi1>, vector<64x32xf32>
    %reshape3A_57 = vector.shape_cast %select_n3A_56 : vector<64x32xf32> to vector<1x64x32xf32>
    %swap3A = arith.constant 0 : index
    %swap3A_58 = arith.constant 0 : index
    %swap3A_59 = arith.constant 0 : index
    %swap3A_60 = vector.load %arg7[%swap3A, %swap3A_58, %swap3A_59] : memref<1x64x32xf32, #tpu.memory_space<vmem>>, vector<1x64x32xf32>
    tpu.vector_store %arg7[%swap3A, %swap3A_58, %swap3A_59], %reshape3A_57 {strides = array<i32>} : memref<1x64x32xf32, #tpu.memory_space<vmem>>, vector<1x64x32xf32>,
    %reduce_max3A = arith.constant dense<0xFF800000> : vector<64xf32>
    %reduce_max3A_61 = vector.multi_reduction <maximumf>, %select_n3A_56, %reduce_max3A [1] : vector<64x32xf32> to vector<64xf32>
    %broadcast_in_dim3A_62 = vector.shape_cast %reduce_max3A_61 : vector<64xf32> to vector<64x1xf32>
    %sub3A = vector.broadcast %broadcast_in_dim3A_62 : vector<64x1xf32> to vector<64x32xf32>
    %sub3A_63 = arith.subf %select_n3A_56, %sub3A : vector<64x32xf32>
    %exp3A = math.exp %sub3A_63 : vector<64x32xf32>
    %reduce_sum3A_64 = arith.constant dense<0.000000e+00> : vector<64xf32>
    %reduce_sum3A_65 = vector.multi_reduction <add>, %exp3A, %reduce_sum3A_64 [1] : vector<64x32xf32> to vector<64xf32>
    %broadcast_in_dim3A_66 = vector.shape_cast %reduce_sum3A_65 : vector<64xf32> to vector<64x1xf32>
    %div3A = vector.broadcast %broadcast_in_dim3A_66 : vector<64x1xf32> to vector<64x32xf32>
    %div3A_67 = arith.divf %exp3A, %div3A : vector<64x32xf32>
    %reshape3A_68 = vector.shape_cast %div3A_67 : vector<64x32xf32> to vector<1x64x32xf32>
    %swap3A_69 = arith.constant 0 : index
    %swap3A_70 = arith.constant 0 : index
    %swap3A_71 = arith.constant 0 : index
    %swap3A_72 = vector.load %arg8[%swap3A_69, %swap3A_70, %swap3A_71] : memref<1x64x32xf32, #tpu.memory_space<vmem>>, vector<1x64x32xf32>
    tpu.vector_store %arg8[%swap3A_69, %swap3A_70, %swap3A_71], %reshape3A_68 {strides = array<i32>} : memref<1x64x32xf32, #tpu.memory_space<vmem>>, vector<1x64x32xf32>,
    %iota3A_73 = tpu.iota {dimensions = array<i32: 1>} : vector<64x32xi32>
    %broadcast_in_dim3A_74 = arith.constant 0.000000e+00 : f32
    %broadcast_in_dim3A_75 = vector.broadcast %broadcast_in_dim3A_74 : f32 to vector<64x32xf32>
    %reduce_max3A_76 = arith.constant dense<0xFF800000> : vector<64xf32>
    %reduce_max3A_77 = vector.multi_reduction <maximumf>, %select_n3A_56, %reduce_max3A_76 [1] : vector<64x32xf32> to vector<64xf32>
    %broadcast_in_dim3A_78 = vector.shape_cast %reduce_max3A_77 : vector<64xf32> to vector<64x1xf32>
    %eq3A_79 = vector.broadcast %broadcast_in_dim3A_78 : vector<64x1xf32> to vector<64x32xf32>
    %eq3A_80 = arith.cmpf oeq, %select_n3A_56, %eq3A_79 : vector<64x32xf32>
    %jit3A_81 = arith.constant 32 : i32
    %broadcast_in_dim3A_82 = vector.broadcast %jit3A_81 : i32 to vector<64x32xi32>
    %select_n3A_83 = arith.select %eq3A_80, %iota3A_73, %broadcast_in_dim3A_82 : vector<64x32xi1>, vector<64x32xi32>
    %reduce_min3A = arith.constant dense<2147483647> : vector<64xi32>
    %reduce_min3A_84 = vector.multi_reduction <minsi>, %select_n3A_83, %reduce_min3A [1] : vector<64x32xi32> to vector<64xi32>
    %broadcast_in_dim3A_85 = vector.shape_cast %reduce_min3A_84 : vector<64xi32> to vector<64x1xi32>
    %eq3A_86 = vector.broadcast %broadcast_in_dim3A_85 : vector<64x1xi32> to vector<64x32xi32>
    %eq3A_87 = arith.cmpi eq, %iota3A_73, %eq3A_86 : vector<64x32xi32>
    %jit3A_88 = arith.constant 1.000000e+00 : f32
    %broadcast_in_dim3A_89 = vector.broadcast %jit3A_88 : f32 to vector<64x32xf32>
    %select_n3A_90 = arith.select %eq3A_87, %broadcast_in_dim3A_89, %broadcast_in_dim3A_75 : vector<64x32xi1>, vector<64x32xf32>
    %jit3A_91 = arith.constant 0xFF800000 : f32
    %broadcast_in_dim3A_92 = vector.broadcast %jit3A_91 : f32 to vector<64x32xf32>
    %select_n3A_93 = arith.select %eq3A_87, %broadcast_in_dim3A_92, %select_n3A_56 : vector<64x32xi1>, vector<64x32xf32>
    %reduce_max3A_94 = arith.constant dense<0xFF800000> : vector<64xf32>
    %reduce_max3A_95 = vector.multi_reduction <maximumf>, %select_n3A_93, %reduce_max3A_94 [1] : vector<64x32xf32> to vector<64xf32>
    %broadcast_in_dim3A_96 = vector.shape_cast %reduce_max3A_95 : vector<64xf32> to vector<64x1xf32>
    %eq3A_97 = vector.broadcast %broadcast_in_dim3A_96 : vector<64x1xf32> to vector<64x32xf32>
    %eq3A_98 = arith.cmpf oeq, %select_n3A_93, %eq3A_97 : vector<64x32xf32>
    %jit3A_99 = arith.constant 32 : i32
    %broadcast_in_dim3A_100 = vector.broadcast %jit3A_99 : i32 to vector<64x32xi32>
    %select_n3A_101 = arith.select %eq3A_98, %iota3A_73, %broadcast_in_dim3A_100 : vector<64x32xi1>, vector<64x32xi32>
    %reduce_min3A_102 = arith.constant dense<2147483647> : vector<64xi32>
    %reduce_min3A_103 = vector.multi_reduction <minsi>, %select_n3A_101, %reduce_min3A_102 [1] : vector<64x32xi32> to vector<64xi32>
    %broadcast_in_dim3A_104 = vector.shape_cast %reduce_min3A_103 : vector<64xi32> to vector<64x1xi32>
    %eq3A_105 = vector.broadcast %broadcast_in_dim3A_104 : vector<64x1xi32> to vector<64x32xi32>
    %eq3A_106 = arith.cmpi eq, %iota3A_73, %eq3A_105 : vector<64x32xi32>
    %jit3A_107 = arith.constant 1.000000e+00 : f32
    %broadcast_in_dim3A_108 = vector.broadcast %jit3A_107 : f32 to vector<64x32xf32>
    %select_n3A_109 = arith.select %eq3A_106, %broadcast_in_dim3A_108, %select_n3A_90 : vector<64x32xi1>, vector<64x32xf32>
    %jit3A_110 = arith.constant 0xFF800000 : f32
    %broadcast_in_dim3A_111 = vector.broadcast %jit3A_110 : f32 to vector<64x32xf32>
    %select_n3A_112 = arith.select %eq3A_106, %broadcast_in_dim3A_111, %select_n3A_93 : vector<64x32xi1>, vector<64x32xf32>
    %reduce_max3A_113 = arith.constant dense<0xFF800000> : vector<64xf32>
    %reduce_max3A_114 = vector.multi_reduction <maximumf>, %select_n3A_112, %reduce_max3A_113 [1] : vector<64x32xf32> to vector<64xf32>
    %broadcast_in_dim3A_115 = vector.shape_cast %reduce_max3A_114 : vector<64xf32> to vector<64x1xf32>
    %eq3A_116 = vector.broadcast %broadcast_in_dim3A_115 : vector<64x1xf32> to vector<64x32xf32>
    %eq3A_117 = arith.cmpf oeq, %select_n3A_112, %eq3A_116 : vector<64x32xf32>
    %jit3A_118 = arith.constant 32 : i32
    %broadcast_in_dim3A_119 = vector.broadcast %jit3A_118 : i32 to vector<64x32xi32>
    %select_n3A_120 = arith.select %eq3A_117, %iota3A_73, %broadcast_in_dim3A_119 : vector<64x32xi1>, vector<64x32xi32>
    %reduce_min3A_121 = arith.constant dense<2147483647> : vector<64xi32>
    %reduce_min3A_122 = vector.multi_reduction <minsi>, %select_n3A_120, %reduce_min3A_121 [1] : vector<64x32xi32> to vector<64xi32>
    %broadcast_in_dim3A_123 = vector.shape_cast %reduce_min3A_122 : vector<64xi32> to vector<64x1xi32>
    %eq3A_124 = vector.broadcast %broadcast_in_dim3A_123 : vector<64x1xi32> to vector<64x32xi32>
    %eq3A_125 = arith.cmpi eq, %iota3A_73, %eq3A_124 : vector<64x32xi32>
    %jit3A_126 = arith.constant 1.000000e+00 : f32
    %broadcast_in_dim3A_127 = vector.broadcast %jit3A_126 : f32 to vector<64x32xf32>
    %select_n3A_128 = arith.select %eq3A_125, %broadcast_in_dim3A_127, %select_n3A_109 : vector<64x32xi1>, vector<64x32xf32>
    %jit3A_129 = arith.constant 0xFF800000 : f32
    %broadcast_in_dim3A_130 = vector.broadcast %jit3A_129 : f32 to vector<64x32xf32>
    %select_n3A_131 = arith.select %eq3A_125, %broadcast_in_dim3A_130, %select_n3A_112 : vector<64x32xi1>, vector<64x32xf32>
    %reduce_max3A_132 = arith.constant dense<0xFF800000> : vector<64xf32>
    %reduce_max3A_133 = vector.multi_reduction <maximumf>, %select_n3A_131, %reduce_max3A_132 [1] : vector<64x32xf32> to vector<64xf32>
    %broadcast_in_dim3A_134 = vector.shape_cast %reduce_max3A_133 : vector<64xf32> to vector<64x1xf32>
    %eq3A_135 = vector.broadcast %broadcast_in_dim3A_134 : vector<64x1xf32> to vector<64x32xf32>
    %eq3A_136 = arith.cmpf oeq, %select_n3A_131, %eq3A_135 : vector<64x32xf32>
    %jit3A_137 = arith.constant 32 : i32
    %broadcast_in_dim3A_138 = vector.broadcast %jit3A_137 : i32 to vector<64x32xi32>
    %select_n3A_139 = arith.select %eq3A_136, %iota3A_73, %broadcast_in_dim3A_138 : vector<64x32xi1>, vector<64x32xi32>
    %reduce_min3A_140 = arith.constant dense<2147483647> : vector<64xi32>
    %reduce_min3A_141 = vector.multi_reduction <minsi>, %select_n3A_139, %reduce_min3A_140 [1] : vector<64x32xi32> to vector<64xi32>
    %broadcast_in_dim3A_142 = vector.shape_cast %reduce_min3A_141 : vector<64xi32> to vector<64x1xi32>
    %eq3A_143 = vector.broadcast %broadcast_in_dim3A_142 : vector<64x1xi32> to vector<64x32xi32>
    %eq3A_144 = arith.cmpi eq, %iota3A_73, %eq3A_143 : vector<64x32xi32>
    %jit3A_145 = arith.constant 1.000000e+00 : f32
    %broadcast_in_dim3A_146 = vector.broadcast %jit3A_145 : f32 to vector<64x32xf32>
    %select_n3A_147 = arith.select %eq3A_144, %broadcast_in_dim3A_146, %select_n3A_128 : vector<64x32xi1>, vector<64x32xf32>
    %jit3A_148 = arith.constant 0xFF800000 : f32
    %broadcast_in_dim3A_149 = vector.broadcast %jit3A_148 : f32 to vector<64x32xf32>
    %select_n3A_150 = arith.select %eq3A_144, %broadcast_in_dim3A_149, %select_n3A_131 : vector<64x32xi1>, vector<64x32xf32>
    %reduce_max3A_151 = arith.constant dense<0xFF800000> : vector<64xf32>
    %reduce_max3A_152 = vector.multi_reduction <maximumf>, %select_n3A_150, %reduce_max3A_151 [1] : vector<64x32xf32> to vector<64xf32>
    %broadcast_in_dim3A_153 = vector.shape_cast %reduce_max3A_152 : vector<64xf32> to vector<64x1xf32>
    %eq3A_154 = vector.broadcast %broadcast_in_dim3A_153 : vector<64x1xf32> to vector<64x32xf32>
    %eq3A_155 = arith.cmpf oeq, %select_n3A_150, %eq3A_154 : vector<64x32xf32>
    %jit3A_156 = arith.constant 32 : i32
    %broadcast_in_dim3A_157 = vector.broadcast %jit3A_156 : i32 to vector<64x32xi32>
    %select_n3A_158 = arith.select %eq3A_155, %iota3A_73, %broadcast_in_dim3A_157 : vector<64x32xi1>, vector<64x32xi32>
    %reduce_min3A_159 = arith.constant dense<2147483647> : vector<64xi32>
    %reduce_min3A_160 = vector.multi_reduction <minsi>, %select_n3A_158, %reduce_min3A_159 [1] : vector<64x32xi32> to vector<64xi32>
    %broadcast_in_dim3A_161 = vector.shape_cast %reduce_min3A_160 : vector<64xi32> to vector<64x1xi32>
    %eq3A_162 = vector.broadcast %broadcast_in_dim3A_161 : vector<64x1xi32> to vector<64x32xi32>
    %eq3A_163 = arith.cmpi eq, %iota3A_73, %eq3A_162 : vector<64x32xi32>
    %jit3A_164 = arith.constant 1.000000e+00 : f32
    %broadcast_in_dim3A_165 = vector.broadcast %jit3A_164 : f32 to vector<64x32xf32>
    %select_n3A_166 = arith.select %eq3A_163, %broadcast_in_dim3A_165, %select_n3A_147 : vector<64x32xi1>, vector<64x32xf32>
    %concatenate3A = tpu.concatenate %broadcast_in_dim3A_85, %broadcast_in_dim3A_104, %broadcast_in_dim3A_123, %broadcast_in_dim3A_142, %broadcast_in_dim3A_161 in 1 : vector<64x1xi32>, vector<64x1xi32>, vector<64x1xi32>, vector<64x1xi32>, vector<64x1xi32> -> vector<64x5xi32>
    %reshape3A_167 = vector.shape_cast %concatenate3A : vector<64x5xi32> to vector<1x64x5xi32>
    %swap3A_168 = arith.constant 0 : index
    %swap3A_169 = arith.constant 0 : index
    %swap3A_170 = arith.constant 0 : index
    %swap3A_171 = vector.load %arg10[%swap3A_168, %swap3A_169, %swap3A_170] : memref<1x64x5xi32, #tpu.memory_space<vmem>>, vector<1x64x5xi32>
    tpu.vector_store %arg10[%swap3A_168, %swap3A_169, %swap3A_170], %reshape3A_167 {strides = array<i32>} : memref<1x64x5xi32, #tpu.memory_space<vmem>>, vector<1x64x5xi32>,
    %jit3A_172 = arith.constant 0.000000e+00 : f32
    %broadcast_in_dim3A_173 = vector.broadcast %jit3A_172 : f32 to vector<64x32xf32>
    %select_n3A_174 = arith.select %eq3A_53, %broadcast_in_dim3A_173, %select_n3A_166 : vector<64x32xi1>, vector<64x32xf32>
    %reshape3A_175 = vector.shape_cast %select_n3A_174 : vector<64x32xf32> to vector<1x64x32xf32>
    %swap3A_176 = arith.constant 0 : index
    %swap3A_177 = arith.constant 0 : index
    %swap3A_178 = arith.constant 0 : index
    %swap3A_179 = vector.load %arg9[%swap3A_176, %swap3A_177, %swap3A_178] : memref<1x64x32xf32, #tpu.memory_space<vmem>>, vector<1x64x32xf32>
    tpu.vector_store %arg9[%swap3A_176, %swap3A_177, %swap3A_178], %reshape3A_175 {strides = array<i32>} : memref<1x64x32xf32, #tpu.memory_space<vmem>>, vector<1x64x32xf32>,
    %concatenate3A_180 = tpu.concatenate %broadcast_in_dim3A_85, %broadcast_in_dim3A_104, %broadcast_in_dim3A_123, %broadcast_in_dim3A_142, %broadcast_in_dim3A_161 in 1 : vector<64x1xi32>, vector<64x1xi32>, vector<64x1xi32>, vector<64x1xi32>, vector<64x1xi32> -> vector<64x5xi32>
    %slice3A = vector.extract_strided_slice %concatenate3A_180 {offsets = [0, 0], sizes = [1, 5], strides = [1, 1]} : vector<64x5xi32> to vector<1x5xi32>
    %slice3A_181 = vector.extract_strided_slice %concatenate3A_180 {offsets = [1, 0], sizes = [1, 5], strides = [1, 1]} : vector<64x5xi32> to vector<1x5xi32>
    %slice3A_182 = vector.extract_strided_slice %concatenate3A_180 {offsets = [2, 0], sizes = [1, 5], strides = [1, 1]} : vector<64x5xi32> to vector<1x5xi32>
    %slice3A_183 = vector.extract_strided_slice %concatenate3A_180 {offsets = [3, 0], sizes = [1, 5], strides = [1, 1]} : vector<64x5xi32> to vector<1x5xi32>
    %slice3A_184 = vector.extract_strided_slice %concatenate3A_180 {offsets = [4, 0], sizes = [1, 5], strides = [1, 1]} : vector<64x5xi32> to vector<1x5xi32>
    %slice3A_185 = vector.extract_strided_slice %concatenate3A_180 {offsets = [5, 0], sizes = [1, 5], strides = [1, 1]} : vector<64x5xi32> to vector<1x5xi32>
    %slice3A_186 = vector.extract_strided_slice %concatenate3A_180 {offsets = [6, 0], sizes = [1, 5], strides = [1, 1]} : vector<64x5xi32> to vector<1x5xi32>
    %slice3A_187 = vector.extract_strided_slice %concatenate3A_180 {offsets = [7, 0], sizes = [1, 5], strides = [1, 1]} : vector<64x5xi32> to vector<1x5xi32>
    %slice3A_188 = vector.extract_strided_slice %concatenate3A_180 {offsets = [8, 0], sizes = [1, 5], strides = [1, 1]} : vector<64x5xi32> to vector<1x5xi32>
    %slice3A_189 = vector.extract_strided_slice %concatenate3A_180 {offsets = [9, 0], sizes = [1, 5], strides = [1, 1]} : vector<64x5xi32> to vector<1x5xi32>
    %slice3A_190 = vector.extract_strided_slice %concatenate3A_180 {offsets = [10, 0], sizes = [1, 5], strides = [1, 1]} : vector<64x5xi32> to vector<1x5xi32>
    %slice3A_191 = vector.extract_strided_slice %concatenate3A_180 {offsets = [11, 0], sizes = [1, 5], strides = [1, 1]} : vector<64x5xi32> to vector<1x5xi32>
    %slice3A_192 = vector.extract_strided_slice %concatenate3A_180 {offsets = [12, 0], sizes = [1, 5], strides = [1, 1]} : vector<64x5xi32> to vector<1x5xi32>
    %slice3A_193 = vector.extract_strided_slice %concatenate3A_180 {offsets = [13, 0], sizes = [1, 5], strides = [1, 1]} : vector<64x5xi32> to vector<1x5xi32>
    %slice3A_194 = vector.extract_strided_slice %concatenate3A_180 {offsets = [14, 0], sizes = [1, 5], strides = [1, 1]} : vector<64x5xi32> to vector<1x5xi32>
    %slice3A_195 = vector.extract_strided_slice %concatenate3A_180 {offsets = [15, 0], sizes = [1, 5], strides = [1, 1]} : vector<64x5xi32> to vector<1x5xi32>
    %concatenate3A_196 = tpu.concatenate %slice3A, %slice3A_181, %slice3A_182, %slice3A_183, %slice3A_184, %slice3A_185, %slice3A_186, %slice3A_187, %slice3A_188, %slice3A_189, %slice3A_190, %slice3A_191, %slice3A_192, %slice3A_193, %slice3A_194, %slice3A_195 in 1 : vector<1x5xi32>, vector<1x5xi32>, vector<1x5xi32>, vector<1x5xi32>, vector<1x5xi32>, vector<1x5xi32>, vector<1x5xi32>, vector<1x5xi32>, vector<1x5xi32>, vector<1x5xi32>, vector<1x5xi32>, vector<1x5xi32>, vector<1x5xi32>, vector<1x5xi32>, vector<1x5xi32>, vector<1x5xi32> -> vector<1x80xi32>
    %slice3A_197 = vector.extract_strided_slice %concatenate3A_180 {offsets = [16, 0], sizes = [1, 5], strides = [1, 1]} : vector<64x5xi32> to vector<1x5xi32>
    %slice3A_198 = vector.extract_strided_slice %concatenate3A_180 {offsets = [17, 0], sizes = [1, 5], strides = [1, 1]} : vector<64x5xi32> to vector<1x5xi32>
    %slice3A_199 = vector.extract_strided_slice %concatenate3A_180 {offsets = [18, 0], sizes = [1, 5], strides = [1, 1]} : vector<64x5xi32> to vector<1x5xi32>
    %slice3A_200 = vector.extract_strided_slice %concatenate3A_180 {offsets = [19, 0], sizes = [1, 5], strides = [1, 1]} : vector<64x5xi32> to vector<1x5xi32>
    %slice3A_201 = vector.extract_strided_slice %concatenate3A_180 {offsets = [20, 0], sizes = [1, 5], strides = [1, 1]} : vector<64x5xi32> to vector<1x5xi32>
    %slice3A_202 = vector.extract_strided_slice %concatenate3A_180 {offsets = [21, 0], sizes = [1, 5], strides = [1, 1]} : vector<64x5xi32> to vector<1x5xi32>
    %slice3A_203 = vector.extract_strided_slice %concatenate3A_180 {offsets = [22, 0], sizes = [1, 5], strides = [1, 1]} : vector<64x5xi32> to vector<1x5xi32>
    %slice3A_204 = vector.extract_strided_slice %concatenate3A_180 {offsets = [23, 0], sizes = [1, 5], strides = [1, 1]} : vector<64x5xi32> to vector<1x5xi32>
    %slice3A_205 = vector.extract_strided_slice %concatenate3A_180 {offsets = [24, 0], sizes = [1, 5], strides = [1, 1]} : vector<64x5xi32> to vector<1x5xi32>
    %slice3A_206 = vector.extract_strided_slice %concatenate3A_180 {offsets = [25, 0], sizes = [1, 5], strides = [1, 1]} : vector<64x5xi32> to vector<1x5xi32>
    %slice3A_207 = vector.extract_strided_slice %concatenate3A_180 {offsets = [26, 0], sizes = [1, 5], strides = [1, 1]} : vector<64x5xi32> to vector<1x5xi32>
    %slice3A_208 = vector.extract_strided_slice %concatenate3A_180 {offsets = [27, 0], sizes = [1, 5], strides = [1, 1]} : vector<64x5xi32> to vector<1x5xi32>
    %slice3A_209 = vector.extract_strided_slice %concatenate3A_180 {offsets = [28, 0], sizes = [1, 5], strides = [1, 1]} : vector<64x5xi32> to vector<1x5xi32>
    %slice3A_210 = vector.extract_strided_slice %concatenate3A_180 {offsets = [29, 0], sizes = [1, 5], strides = [1, 1]} : vector<64x5xi32> to vector<1x5xi32>
    %slice3A_211 = vector.extract_strided_slice %concatenate3A_180 {offsets = [30, 0], sizes = [1, 5], strides = [1, 1]} : vector<64x5xi32> to vector<1x5xi32>
    %slice3A_212 = vector.extract_strided_slice %concatenate3A_180 {offsets = [31, 0], sizes = [1, 5], strides = [1, 1]} : vector<64x5xi32> to vector<1x5xi32>
    %concatenate3A_213 = tpu.concatenate %slice3A_197, %slice3A_198, %slice3A_199, %slice3A_200, %slice3A_201, %slice3A_202, %slice3A_203, %slice3A_204, %slice3A_205, %slice3A_206, %slice3A_207, %slice3A_208, %slice3A_209, %slice3A_210, %slice3A_211, %slice3A_212 in 1 : vector<1x5xi32>, vector<1x5xi32>, vector<1x5xi32>, vector<1x5xi32>, vector<1x5xi32>, vector<1x5xi32>, vector<1x5xi32>, vector<1x5xi32>, vector<1x5xi32>, vector<1x5xi32>, vector<1x5xi32>, vector<1x5xi32>, vector<1x5xi32>, vector<1x5xi32>, vector<1x5xi32>, vector<1x5xi32> -> vector<1x80xi32>
    %slice3A_214 = vector.extract_strided_slice %concatenate3A_180 {offsets = [32, 0], sizes = [1, 5], strides = [1, 1]} : vector<64x5xi32> to vector<1x5xi32>
    %slice3A_215 = vector.extract_strided_slice %concatenate3A_180 {offsets = [33, 0], sizes = [1, 5], strides = [1, 1]} : vector<64x5xi32> to vector<1x5xi32>
    %slice3A_216 = vector.extract_strided_slice %concatenate3A_180 {offsets = [34, 0], sizes = [1, 5], strides = [1, 1]} : vector<64x5xi32> to vector<1x5xi32>
    %slice3A_217 = vector.extract_strided_slice %concatenate3A_180 {offsets = [35, 0], sizes = [1, 5], strides = [1, 1]} : vector<64x5xi32> to vector<1x5xi32>
    %slice3A_218 = vector.extract_strided_slice %concatenate3A_180 {offsets = [36, 0], sizes = [1, 5], strides = [1, 1]} : vector<64x5xi32> to vector<1x5xi32>
    %slice3A_219 = vector.extract_strided_slice %concatenate3A_180 {offsets = [37, 0], sizes = [1, 5], strides = [1, 1]} : vector<64x5xi32> to vector<1x5xi32>
    %slice3A_220 = vector.extract_strided_slice %concatenate3A_180 {offsets = [38, 0], sizes = [1, 5], strides = [1, 1]} : vector<64x5xi32> to vector<1x5xi32>
    %slice3A_221 = vector.extract_strided_slice %concatenate3A_180 {offsets = [39, 0], sizes = [1, 5], strides = [1, 1]} : vector<64x5xi32> to vector<1x5xi32>
    %slice3A_222 = vector.extract_strided_slice %concatenate3A_180 {offsets = [40, 0], sizes = [1, 5], strides = [1, 1]} : vector<64x5xi32> to vector<1x5xi32>
    %slice3A_223 = vector.extract_strided_slice %concatenate3A_180 {offsets = [41, 0], sizes = [1, 5], strides = [1, 1]} : vector<64x5xi32> to vector<1x5xi32>
    %slice3A_224 = vector.extract_strided_slice %concatenate3A_180 {offsets = [42, 0], sizes = [1, 5], strides = [1, 1]} : vector<64x5xi32> to vector<1x5xi32>
    %slice3A_225 = vector.extract_strided_slice %concatenate3A_180 {offsets = [43, 0], sizes = [1, 5], strides = [1, 1]} : vector<64x5xi32> to vector<1x5xi32>
    %slice3A_226 = vector.extract_strided_slice %concatenate3A_180 {offsets = [44, 0], sizes = [1, 5], strides = [1, 1]} : vector<64x5xi32> to vector<1x5xi32>
    %slice3A_227 = vector.extract_strided_slice %concatenate3A_180 {offsets = [45, 0], sizes = [1, 5], strides = [1, 1]} : vector<64x5xi32> to vector<1x5xi32>
    %slice3A_228 = vector.extract_strided_slice %concatenate3A_180 {offsets = [46, 0], sizes = [1, 5], strides = [1, 1]} : vector<64x5xi32> to vector<1x5xi32>
    %slice3A_229 = vector.extract_strided_slice %concatenate3A_180 {offsets = [47, 0], sizes = [1, 5], strides = [1, 1]} : vector<64x5xi32> to vector<1x5xi32>
    %concatenate3A_230 = tpu.concatenate %slice3A_214, %slice3A_215, %slice3A_216, %slice3A_217, %slice3A_218, %slice3A_219, %slice3A_220, %slice3A_221, %slice3A_222, %slice3A_223, %slice3A_224, %slice3A_225, %slice3A_226, %slice3A_227, %slice3A_228, %slice3A_229 in 1 : vector<1x5xi32>, vector<1x5xi32>, vector<1x5xi32>, vector<1x5xi32>, vector<1x5xi32>, vector<1x5xi32>, vector<1x5xi32>, vector<1x5xi32>, vector<1x5xi32>, vector<1x5xi32>, vector<1x5xi32>, vector<1x5xi32>, vector<1x5xi32>, vector<1x5xi32>, vector<1x5xi32>, vector<1x5xi32> -> vector<1x80xi32>
    %slice3A_231 = vector.extract_strided_slice %concatenate3A_180 {offsets = [48, 0], sizes = [1, 5], strides = [1, 1]} : vector<64x5xi32> to vector<1x5xi32>
    %slice3A_232 = vector.extract_strided_slice %concatenate3A_180 {offsets = [49, 0], sizes = [1, 5], strides = [1, 1]} : vector<64x5xi32> to vector<1x5xi32>
    %slice3A_233 = vector.extract_strided_slice %concatenate3A_180 {offsets = [50, 0], sizes = [1, 5], strides = [1, 1]} : vector<64x5xi32> to vector<1x5xi32>
    %slice3A_234 = vector.extract_strided_slice %concatenate3A_180 {offsets = [51, 0], sizes = [1, 5], strides = [1, 1]} : vector<64x5xi32> to vector<1x5xi32>
    %slice3A_235 = vector.extract_strided_slice %concatenate3A_180 {offsets = [52, 0], sizes = [1, 5], strides = [1, 1]} : vector<64x5xi32> to vector<1x5xi32>
    %slice3A_236 = vector.extract_strided_slice %concatenate3A_180 {offsets = [53, 0], sizes = [1, 5], strides = [1, 1]} : vector<64x5xi32> to vector<1x5xi32>
    %slice3A_237 = vector.extract_strided_slice %concatenate3A_180 {offsets = [54, 0], sizes = [1, 5], strides = [1, 1]} : vector<64x5xi32> to vector<1x5xi32>
    %slice3A_238 = vector.extract_strided_slice %concatenate3A_180 {offsets = [55, 0], sizes = [1, 5], strides = [1, 1]} : vector<64x5xi32> to vector<1x5xi32>
    %slice3A_239 = vector.extract_strided_slice %concatenate3A_180 {offsets = [56, 0], sizes = [1, 5], strides = [1, 1]} : vector<64x5xi32> to vector<1x5xi32>
    %slice3A_240 = vector.extract_strided_slice %concatenate3A_180 {offsets = [57, 0], sizes = [1, 5], strides = [1, 1]} : vector<64x5xi32> to vector<1x5xi32>
    %slice3A_241 = vector.extract_strided_slice %concatenate3A_180 {offsets = [58, 0], sizes = [1, 5], strides = [1, 1]} : vector<64x5xi32> to vector<1x5xi32>
    %slice3A_242 = vector.extract_strided_slice %concatenate3A_180 {offsets = [59, 0], sizes = [1, 5], strides = [1, 1]} : vector<64x5xi32> to vector<1x5xi32>
    %slice3A_243 = vector.extract_strided_slice %concatenate3A_180 {offsets = [60, 0], sizes = [1, 5], strides = [1, 1]} : vector<64x5xi32> to vector<1x5xi32>
    %slice3A_244 = vector.extract_strided_slice %concatenate3A_180 {offsets = [61, 0], sizes = [1, 5], strides = [1, 1]} : vector<64x5xi32> to vector<1x5xi32>
    %slice3A_245 = vector.extract_strided_slice %concatenate3A_180 {offsets = [62, 0], sizes = [1, 5], strides = [1, 1]} : vector<64x5xi32> to vector<1x5xi32>
    %slice3A_246 = vector.extract_strided_slice %concatenate3A_180 {offsets = [63, 0], sizes = [1, 5], strides = [1, 1]} : vector<64x5xi32> to vector<1x5xi32>
    %concatenate3A_247 = tpu.concatenate %slice3A_231, %slice3A_232, %slice3A_233, %slice3A_234, %slice3A_235, %slice3A_236, %slice3A_237, %slice3A_238, %slice3A_239, %slice3A_240, %slice3A_241, %slice3A_242, %slice3A_243, %slice3A_244, %slice3A_245, %slice3A_246 in 1 : vector<1x5xi32>, vector<1x5xi32>, vector<1x5xi32>, vector<1x5xi32>, vector<1x5xi32>, vector<1x5xi32>, vector<1x5xi32>, vector<1x5xi32>, vector<1x5xi32>, vector<1x5xi32>, vector<1x5xi32>, vector<1x5xi32>, vector<1x5xi32>, vector<1x5xi32>, vector<1x5xi32>, vector<1x5xi32> -> vector<1x80xi32>
    %concatenate3A_248 = tpu.concatenate %concatenate3A_196, %concatenate3A_213, %concatenate3A_230, %concatenate3A_247 in 0 : vector<1x80xi32>, vector<1x80xi32>, vector<1x80xi32>, vector<1x80xi32> -> vector<4x80xi32>
    %iota3A_249 = tpu.iota {dimensions = array<i32: 0>} : vector<4x80xi32>
    %iota3A_250 = tpu.iota {dimensions = array<i32: 1>} : vector<4x80xi32>
    %mul3A = arith.constant 2048 : i32
    %mul3A_251 = arith.muli %arg0, %mul3A : i32
    %add3A_252 = vector.broadcast %mul3A_251 : i32 to vector<4x80xi32>
    %add3A_253 = arith.addi %concatenate3A_248, %add3A_252 : vector<4x80xi32>
    %mul3A_254 = arith.constant 16 : i32
    %mul3A_255 = vector.broadcast %mul3A_254 : i32 to vector<4x80xi32>
    %mul3A_256 = arith.muli %iota3A_249, %mul3A_255 : vector<4x80xi32>
    %jit3A_257 = arith.constant 5 : i32
    %div3A_258 = vector.broadcast %jit3A_257 : i32 to vector<4x80xi32>
    %div3A_259 = arith.divsi %iota3A_250, %div3A_258 : vector<4x80xi32>
    %sign3A = arith.constant 0 : i32
    %sign3A_260 = vector.broadcast %sign3A : i32 to vector<4x80xi32>
    %sign3A_261 = arith.cmpi sgt, %iota3A_250, %sign3A_260 : vector<4x80xi32>
    %sign3A_262 = arith.extui %sign3A_261 : vector<4x80xi1> to vector<4x80xi32>
    %sign3A_263 = arith.constant 0 : i32
    %sign3A_264 = vector.broadcast %sign3A_263 : i32 to vector<4x80xi32>
    %sign3A_265 = arith.cmpi slt, %iota3A_250, %sign3A_264 : vector<4x80xi32>
    %sign3A_266 = arith.extui %sign3A_265 : vector<4x80xi1> to vector<4x80xi32>
    %sign3A_267 = arith.subi %sign3A_262, %sign3A_266 : vector<4x80xi32>
    %sign3A_268 = arith.constant 0 : i32
    %sign3A_269 = arith.cmpi sgt, %jit3A_257, %sign3A_268 : i32
    %sign3A_270 = arith.extui %sign3A_269 : i1 to i32
    %sign3A_271 = arith.constant 0 : i32
    %sign3A_272 = arith.cmpi slt, %jit3A_257, %sign3A_271 : i32
    %sign3A_273 = arith.extui %sign3A_272 : i1 to i32
    %sign3A_274 = arith.subi %sign3A_270, %sign3A_273 : i32
    %ne3A_275 = vector.broadcast %sign3A_274 : i32 to vector<4x80xi32>
    %ne3A_276 = arith.cmpi ne, %sign3A_267, %ne3A_275 : vector<4x80xi32>
    %rem3A_277 = vector.broadcast %jit3A_257 : i32 to vector<4x80xi32>
    %rem3A_278 = arith.remsi %iota3A_250, %rem3A_277 : vector<4x80xi32>
    %ne3A_279 = arith.constant 0 : i32
    %ne3A_280 = vector.broadcast %ne3A_279 : i32 to vector<4x80xi32>
    %ne3A_281 = arith.cmpi ne, %rem3A_278, %ne3A_280 : vector<4x80xi32>
    %and3A_282 = arith.andi %ne3A_276, %ne3A_281 : vector<4x80xi1>
    %sub3A_283 = arith.constant 1 : i32
    %sub3A_284 = vector.broadcast %sub3A_283 : i32 to vector<4x80xi32>
    %sub3A_285 = arith.subi %div3A_259, %sub3A_284 : vector<4x80xi32>
    %select_n3A_286 = arith.select %and3A_282, %sub3A_285, %div3A_259 : vector<4x80xi1>, vector<4x80xi32>
    %add3A_287 = arith.addi %mul3A_256, %select_n3A_286 : vector<4x80xi32>
    %mul3A_288 = arith.constant 32 : i32
    %mul3A_289 = vector.broadcast %mul3A_288 : i32 to vector<4x80xi32>
    %mul3A_290 = arith.muli %add3A_287, %mul3A_289 : vector<4x80xi32>
    %add3A_291 = arith.addi %add3A_253, %mul3A_290 : vector<4x80xi32>
    %reshape3A_292 = vector.shape_cast %add3A_291 : vector<4x80xi32> to vector<4x1x80xi32>
    %swap3A_293 = arith.constant 0 : index
    %swap3A_294 = arith.constant 0 : index
    %swap3A_295 = arith.constant 0 : index
    %swap3A_296 = vector.load %arg11[%swap3A_293, %swap3A_294, %swap3A_295] : memref<4x1x80xi32, #tpu.memory_space<vmem>>, vector<4x1x80xi32>
    tpu.vector_store %arg11[%swap3A_293, %swap3A_294, %swap3A_295], %reshape3A_292 {strides = array<i32>} : memref<4x1x80xi32, #tpu.memory_space<vmem>>, vector<4x1x80xi32>,
    return
  }
  func.func @transform_0(%arg0: i32) -> (i32, i32, i32, i32) {
    %c0_i32 = arith.constant 0 : i32
    %c0_i32_0 = arith.constant 0 : i32
    %c0_i32_1 = arith.constant 0 : i32
    %c0_i32_2 = arith.constant 0 : i32
    return %arg0, %c0_i32, %c0_i32_0, %c0_i32_1 : i32, i32, i32, i32
  }
  func.func @transform_1(%arg0: i32) -> (i32, i32, i32) {
    %c0_i32 = arith.constant 0 : i32
    %c0_i32_0 = arith.constant 0 : i32
    %c0_i32_1 = arith.constant 0 : i32
    return %arg0, %c0_i32, %c0_i32_0 : i32, i32, i32
  }
  func.func @transform_2(%arg0: i32) -> (i32, i32) {
    %c0_i32 = arith.constant 0 : i32
    %c0_i32_0 = arith.constant 0 : i32
    %c0_i32_1 = arith.constant 0 : i32
    return %c0_i32, %c0_i32_0 : i32, i32
  }
  func.func @transform_3(%arg0: i32) -> (i32, i32) {
    %c0_i32 = arith.constant 0 : i32
    %c0_i32_0 = arith.constant 0 : i32
    %c0_i32_1 = arith.constant 0 : i32
    return %c0_i32, %c0_i32_0 : i32, i32
  }
  func.func @transform_4(%arg0: i32) -> (i32, i32) {
    %c0_i32 = arith.constant 0 : i32
    %c0_i32_0 = arith.constant 0 : i32
    %c0_i32_1 = arith.constant 0 : i32
    return %c0_i32, %c0_i32_0 : i32, i32
  }
  func.func @transform_5(%arg0: i32) -> (i32, i32) {
    %c0_i32 = arith.constant 0 : i32
    %c0_i32_0 = arith.constant 0 : i32
    %c0_i32_1 = arith.constant 0 : i32
    return %c0_i32, %c0_i32_0 : i32, i32
  }
  func.func @transform_6(%arg0: i32) -> (i32, i32, i32) {
    %c0_i32 = arith.constant 0 : i32
    %c0_i32_0 = arith.constant 0 : i32
    %c0_i32_1 = arith.constant 0 : i32
    return %arg0, %c0_i32, %c0_i32_0 : i32, i32, i32
  }
  func.func @transform_7(%arg0: i32) -> (i32, i32, i32) {
    %c0_i32 = arith.constant 0 : i32
    %c0_i32_0 = arith.constant 0 : i32
    %c0_i32_1 = arith.constant 0 : i32
    return %arg0, %c0_i32, %c0_i32_0 : i32, i32, i32
  }
  func.func @transform_8(%arg0: i32) -> (i32, i32, i32) {
    %c0_i32 = arith.constant 0 : i32
    %c0_i32_0 = arith.constant 0 : i32
    %c0_i32_1 = arith.constant 0 : i32
    return %arg0, %c0_i32, %c0_i32_0 : i32, i32, i32
  }
  func.func @transform_9(%arg0: i32) -> (i32, i32, i32) {
    %c0_i32 = arith.constant 0 : i32
    %c0_i32_0 = arith.constant 0 : i32
    %c0_i32_1 = arith.constant 0 : i32
    return %arg0, %c0_i32, %c0_i32_0 : i32, i32, i32
  }
  func.func @transform_10(%arg0: i32) -> (i32, i32, i32) {
    %c0_i32 = arith.constant 0 : i32
    %c0_i32_0 = arith.constant 0 : i32
    %c0_i32_1 = arith.constant 0 : i32
    return %arg0, %c0_i32, %c0_i32_0 : i32, i32, i32
  }
}

</mosaic_0001>

<sc_bundles>
// kernel: kernel.5.cloned.1.call-start
scs
__scs_entry_jumppad:
0x0: {  	(pc) =	sbr.rel $0x88, $3  }
0x1: {  	(tag) =	ssettag $0x0;
	lr =	simm.s32 $0x1  }
0x2: {  	[smem:$0x3F9B] =	sst lr;
	_ =	strace $0xD0000000  }
0x3: {  	_ = 	snop  }
0x4: {  	_ = 	snop  }
0x5: {  	_ = 	snop  }
0x6: {  	_ = 	snop  }
0x7: {  	_ = 	snop  }
__scs_overlays_trampoline_lowered:
0x8: {  	[smem:$0x3FAA] =	sst s0  }
0x9: {  	[smem:$0x3FAB] =	sst s1  }
0xa: {  	[smem:$0x3FAC] =	sst s2  }
0xb: {  	[smem:$0x3FAD] =	sst s3  }
0xc: {  	[smem:$0x3FAE] =	sst s4  }
0xd: {  	[smem:$0x3FAF] =	sst s5  }
0xe: {  	[smem:$0x3FB0] =	sst s6  }
0xf: {  	[smem:$0x3FB1] =	sst s7  }
0x10: {  	[smem:$0x3FB2] =	sst s8  }
0x11: {  	[smem:$0x3FB3] =	sst s9;
	s0 =	simm.s32 @!p0 $0x0  }
0x12: {  	s1 =	sld [smem:$0x3F99];
	s0 =	simm.s32 @p0 $0x1  }
0x13: {  	[smem:$0x3FB4] =	sst s0;
	s0 =	simm.s32 @!p1 $0x0  }
0x14: {  	s2 =	sld [smem:$0x3F98];
	s0 =	simm.s32 @p1 $0x1  }
0x15: {  	[smem:$0x3FB5] =	sst s0;
	s0 =	simm.s32 @!p2 $0x0  }
0x16: {  	s3 =	sld [smem:$0x3FDB];
	s0 =	simm.s32 @p2 $0x1  }
0x17: {  	s4 =	simm.s32 $0x1BF5;
	[smem:$0x3FB7] =	sst s0  }
0x18: {  	s0 =	sld [smem:$0x3F9A];
	_ =	swait.ge [sflag:s4], $0x0  }
0x19: {  	s7 =	sld [smem:$0x3F9B]  }
0x1a: {  	s8 =	sadd.s32 $0xFFFFE003, lr  }
0x1b: {  	s9 =	sadd.s32 $0xFFFFFEF7, lr;
	s5 =	simm.s32 $0xFFFFFFFF;
	p2 =	slt.u32 s8, $0xFFFFF086  }
0x1c: {  	p1 =	slt.u32 s9, $0xF7A;
	s5 =	simm.s32 @!p2 $0x0  }
0x1d: {  	s5 =	simm.s32 @p1 $0x1;
	p0 =	seq.s32 s7, s2  }
0x1e: {  	s7 =	smul.u32 @!p0 $0xF7A, s2;
	p2 =	seq.s32 @!p0 s5, $0x0  }
0x1f: {  	s9 =	smul.u32 $0xF7A, s1;
	s8 =	simm.s32 @!p0 $0x1BF5;
	p2 =	por !p2, p0  }
0x20: {  	[sflag:s8] =	ssyncset.s32 @!p0 $0xFFFFF086;
	s6 =	sadd.s32 @!p0 s3, s7;
	s7 =	simm.s32 @!p0 $0x108  }
0x21: {  	s3 =	sadd.s32 s3, s9;
	s6 =	sadd.s32 @!p0 $0x88, s6;
	s7 =	simm.s32 @p2 $0x1082  }
0x22: {  	[simem:s7], [sflag:s8] =	dma.local @!p0 [hbm:s6], $0xF7A  }
0x23: {  	s9 =	sor.u32 $0xD0000000, s2;
	s6 =	simm.s32 $0x108;
	_ =	swait.ge @!p0 [sflag:s8], $0x0  }
0x24: {  	s3 =	sadd.s32 $0x88, s3;
	s6 =	simm.s32 @!p1 $0x1082;
	[sflag:s4] =	ssyncset.s32 $0xFFFFF086  }
0x25: {  	[simem:s6], [sflag:s4] =	dma.local [hbm:s3], $0xF7A  }
0x26: {  	[smem:$0x3F9B] =	sst s1;
	(tag) =	ssettag s2;
	_ =	strace s9  }
0x27: {  	s1 =	sld [smem:$0x3FAB]  }
0x28: {  	s2 =	sld [smem:$0x3FAC]  }
0x29: {  	s4 =	sld [smem:$0x3FAE]  }
0x2a: {  	p0 =	seq.s32 s5, $0x0;
	s5 =	sld [smem:$0x3FAF]  }
0x2b: {  	s6 =	sld [smem:$0x3FB0]  }
0x2c: {  	s7 =	sld [smem:$0x3FB1]  }
0x2d: {  	s3 =	simm.s32 $0x108;
	s8 =	sld [smem:$0x3FB2]  }
0x2e: {  	s3 =	simm.s32 @!p0 $0x1082;
	s9 =	sld [smem:$0x3FB3]  }
0x2f: {  	lr =	sadd.s32 s0, s3;
	s0 =	sld [smem:$0x3FAA]  }
0x30: {  	s3 =	sld [smem:$0x3FAD]  }
0x31: {  	[smem:$0x3FB6] =	sst s10  }
0x32: {  	s10 =	sld [smem:$0x3FB4];
	_ =	sdelay $0x3  }
0x33: {  	p0 =	seq.s32 s10, $0x1;
	s10 =	sld [smem:$0x3FB6];
	_ =	sdelay $0x3  }
0x34: {  	[smem:$0x3FB6] =	sst s10  }
0x35: {  	s10 =	sld [smem:$0x3FB5];
	_ =	sdelay $0x3  }
0x36: {  	p1 =	seq.s32 s10, $0x1;
	s10 =	sld [smem:$0x3FB6];
	_ =	sdelay $0x3  }
0x37: {  	[smem:$0x3FB6] =	sst s10  }
0x38: {  	s10 =	sld [smem:$0x3FB7]  }
0x39: {  	_ = 	snop;
	(pc) =	sbr.ind lr, $3  }
0x3a: {  	_ = 	snop  }
0x3b: {  	_ = 	snop  }
0x3c: {  	p2 =	seq.s32 s10, $0x1;
	s10 =	sld [smem:$0x3FB6]  }
0x3d: {  	_ =	shalt  }
0x3e: {  	_ =	shalt  }
0x3f: {  	_ =	shalt  }
0x40: {  	_ =	shalt  }
0x41: {  	_ =	shalt  }
0x42: {  	_ =	shalt  }
0x43: {  	_ =	shalt  }
0x44: {  	_ =	shalt  }
0x45: {  	_ =	shalt  }
0x46: {  	_ =	shalt  }
0x47: {  	_ =	shalt  }
0x48: {  	_ =	shalt  }
0x49: {  	_ =	shalt  }
0x4a: {  	_ =	shalt  }
0x4b: {  	_ =	shalt  }
0x4c: {  	_ =	shalt  }
0x4d: {  	_ =	shalt  }
0x4e: {  	_ =	shalt  }
0x4f: {  	_ =	shalt  }
0x50: {  	_ =	shalt  }
0x51: {  	_ =	shalt  }
0x52: {  	_ =	shalt  }
0x53: {  	_ =	shalt  }
0x54: {  	_ =	shalt  }
0x55: {  	_ =	shalt  }
0x56: {  	_ =	shalt  }
0x57: {  	_ =	shalt  }
0x58: {  	_ =	shalt  }
0x59: {  	_ =	shalt  }
0x5a: {  	_ =	shalt  }
0x5b: {  	_ =	shalt  }
0x5c: {  	_ =	shalt  }
0x5d: {  	_ =	shalt  }
0x5e: {  	_ =	shalt  }
0x5f: {  	_ =	shalt  }
0x60: {  	_ =	shalt  }
0x61: {  	_ =	shalt  }
0x62: {  	_ =	shalt  }
0x63: {  	_ =	shalt  }
0x64: {  	_ =	shalt  }
0x65: {  	_ =	shalt  }
0x66: {  	_ =	shalt  }
0x67: {  	_ =	shalt  }
0x68: {  	_ =	shalt  }
0x69: {  	_ =	shalt  }
0x6a: {  	_ =	shalt  }
0x6b: {  	_ =	shalt  }
0x6c: {  	_ =	shalt  }
0x6d: {  	_ =	shalt  }
0x6e: {  	_ =	shalt  }
0x6f: {  	_ =	shalt  }
0x70: {  	_ =	shalt  }
0x71: {  	_ =	shalt  }
0x72: {  	_ =	shalt  }
0x73: {  	_ =	shalt  }
0x74: {  	_ =	shalt  }
0x75: {  	_ =	shalt  }
0x76: {  	_ =	shalt  }
0x77: {  	_ =	shalt  }
0x78: {  	_ =	shalt  }
0x79: {  	_ =	shalt  }
0x7a: {  	_ =	shalt  }
0x7b: {  	_ =	shalt  }
0x7c: {  	_ =	shalt  }
0x7d: {  	_ =	shalt  }
0x7e: {  	_ =	shalt  }
0x7f: {  	_ =	shalt  }
0x80: {  	_ =	shalt  }
0x81: {  	_ =	shalt  }
0x82: {  	_ =	shalt  }
0x83: {  	_ =	shalt  }
0x84: {  	_ =	shalt  }
0x85: {  	_ =	shalt  }
0x86: {  	_ =	shalt  }
0x87: {  	_ =	shalt  }
.Lfunc_end0:
.L_simem_size_0:
called_computation_lowered:
.L_overlay_start_0:
0x88: {  	s2 =	sld [smem:$0x3FD9]  }
0x89: {  	s3 =	sld [smem:$0x3FFE];
	_ =	sdelay $0x1  }
0x8a: {  	s1 =	srdreg.scid  }
0x8b: {  	s0 =	sand.u32 $0x1, s1  }
0x8c: {  	s14 =	sshll.u32 s0, $0xA;
	s2 =	sadd.s32 s3, s2  }
0x8d: {  	s2 =	sadd.s32 s2, s14  }
0x8e: {  	[smem:$0x3FC2] =	sst s2  }
0x8f: {  	_ = 	snop  }
0x90: {  	s2 =	sld [smem:$0x3FD0];
	_ =	sdelay $0x2  }
0x91: {  	s4 =	simm.s32 $0xA;
	s5 =	simm.s32 $0x10;
	s15 =	sld [smem:$0x3FC9]  }
0x92: {  	[smem:s5], [sflag:s4] =	dma.local [hbm:s2], $0x1  }
0x93: {  	_ =	swait.eq [sflag:s4], $0x1  }
0x94: {  	[sflag:s4] =	ssyncset.done $0x0  }
0x95: {  	[sflag:s4] =	ssyncadd.s32 $0xFFFFFFFF  }
0x96: {  	s16 =	sld [smem:$0x15];
	(tm) =	ssettm $0x1  }
0x97: {  	s17 =	sld [smem:$0x3FFB];
	_ =	sdelay $0x3  }
0x98: {  	_ =	strace s17  }
0x99: {  	s4 =	sld [smem:$0x3FFC];
	_ =	sdelay $0x3  }
0x9a: {  	_ =	strace s4  }
0x9b: {  	s4 =	sld [smem:$0x3FFD];
	_ =	sdelay $0x3  }
0x9c: {  	_ =	strace s4  }
0x9d: {  	_ =	strace $0x8FFFFFFF  }
0x9e: {  	s18 =	sld [smem:$0x3FDB];
	_ =	sdelay $0x1  }
0x9f: {  	s19 =	simm.s32 $_scs_section_size  }
0xa0: {  	s6 =	simm.s32 $_size__tile_overlayer_lowered;
	s7 =	simm.s32 $_tile_overlayer_lowered  }
0xa1: {  	s22 =	simm.s32 $0x1BFF;
	s21 =	sshll.u32 s7, $0x1;
	s4 =	sadd.s32 s19, s18  }
0xa2: {  	s8 =	simm.s32 $0x0;
	s20 =	sshll.u32 s6, $0x1;
	s6 =	sadd.s32 s21, s4  }
0xa3: {  	[timem:s8], [sflag:s22] =	dma.local [hbm:s6], s20  }
0xa4: {  	_ =	swait.ge [sflag:s22], s20  }
0xa5: {  	s5 =	ssub.s32 $0x0, s20;
	[sflag:s22] =	ssyncset.done $0x0  }
0xa6: {  	[sflag:s22] =	ssyncadd.s32 s5;
	_ =	sdelay $0x1  }
0xa7: {  	s23 =	simm.s32 $0x1B8B  }
0xa8: {  	_ =	swait.ge [sflag:s23], $0x1  }
0xa9: {  	[sflag:s23] =	ssyncset.done $0x0  }
0xaa: {  	s25 =	simm.s32 $0x1B8E;
	s24 =	sld [smem:$0x3FFE];
	[sflag:s23] =	ssyncadd.s32 $0xFFFFFFFF  }
0xab: {  	s26 =	simm.s32 $execute0_lowered;
	[smem:$0x3FD2] =	sst s25  }
0xac: {  	s6 =	sshll.u32 s26, $0x1;
	_ =	strace $0x80000046;
	[dreg:$0x1] =	wrdreg $0xFFFFFFFF  }
0xad: {  	s28 =	simm.s32 $_size_execute0_lowered;
	s4 =	sadd.s32 s4, s6;
	[dreg:$0x0] =	wrdreg $0x0  }
0xae: {  	s6 =	sshll.u32 s28, $0x1;
	[dreg:$0x2] =	wrdreg s4  }
0xaf: {  	[dreg:$0x3] =	wrdreg s6  }
0xb0: {  	[dreg:$0x4] =	wrdreg $0xC0  }
0xb1: {  	_ =	task [dreg:s8], $0x5FFFF  }
0xb2: {  	[dreg:$0x1] =	wrdreg $0xFFFFFFFF  }
0xb3: {  	[dreg:$0x0] =	wrdreg $0x60  }
0xb4: {  	[dreg:$0x2] =	wrdreg s15  }
0xb5: {  	[dreg:$0x3] =	wrdreg s24  }
0xb6: {  	[dreg:$0x4] =	wrdreg s16  }
0xb7: {  	[dreg:$0x5] =	wrdreg $0x9  }
0xb8: {  	_ =	task.clear_ibuf [dreg:s8], $0x6FFFF;
	_ =	strace $0x90000046  }
0xb9: {  	s29 =	simm.s32 $0x9;
	_ =	strace $0x80000048  }
0xba: {  	_ =	swait.ge [sflag:s29], $0x1  }
0xbb: {  	[sflag:s29] =	ssyncadd.s32 $0xFFFFFFFF  }
0xbc: {  	_ =	strace $0x90000048  }
0xbd: {  	_ =	sfence  }
0xbe: {  	s30 =	sld [smem:$0x0];
	_ =	sdelay $0x2  }
0xbf: {  	s31 =	sshll.u32 s1, $0xD;
	s1 =	sshrl.u32 s1, $0x2  }
0xc0: {  	s3 =	sand.u32 $0x4000, s31;
	s1 =	sadd.s32 s1, s30  }
0xc1: {  	s0 =	sor.u32 s3, s0;
	s1 =	sshll.u32 s1, $0x11  }
0xc2: {  	s0 =	sor.u32 s1, s0  }
0xc3: {  	s0 =	sadd.s32 $0x8F2B, s0  }
0xc4: {  	[sflag:s0] =	ssyncadd.remote.s32 $0x1  }
0xc5: {  	_ =	sfence.sel $0xFFFF  }
0xc6: {  	[dreg:$0x0] =	wrdreg $0xFFFFFFFF;
	(pc) =	sbr.abs _section_cstart, $3  }
0xc7: {  	[dreg:$0x1] =	wrdreg $0xFFFFFFFF  }
0xc8: {  	_ =	task.clear_ibuf [dreg:s8], $0x2FFFF;
	_ =	strace $0x9FFFFFFF  }
0xc9: {  	(tm) =	ssettm $0x7FFFFFFF  }
tec
execute0_lowered:
.L_overlay_start_1:
0x0: {  	(tag) =	ssettag $0x1  }
0x1: {  	s1 =	rddreg [dreg:$0x0]  }
0x2: {  	s2 =	srdreg.scid;
	s4 =	rddreg [dreg:$0x1]  }
0x3: {  	s0 =	stileid.u32;
	s5 =	rddreg [dreg:$0x2]  }
0x4: {  	s20 =	simm.s32 $0x880;
	s21 =	simm.s32 $0x1080;
	s22 =	simm.s32 $0x1880  }
0x5: {  	s23 =	simm.s32 $0x2080;
	s24 =	simm.s32 $0x2880;
	s25 =	simm.s32 $0x3080  }
0x6: {  	s8 =	simm.s32 $0x80;
	s26 =	simm.s32 $0x3880;
	s10 =	simm.s32 $0x4880  }
0x7: {  	s11 =	simm.s32 $0x5080;
	s12 =	simm.s32 $0x5880;
	s13 =	simm.s32 $0x6080  }
0x8: {  	s14 =	simm.s32 $0x6880;
	s2 =	sand.u32 $0x1, s2;
	s3 =	sshll.u32 s0, $0x1  }
0x9: {  	s15 =	simm.s32 $0x7080;
	s6 =	sor.u32 s2, s3;
	s3 =	simm.s32 $0x0  }
0xa: {  	s16 =	simm.s32 $0x7880;
	s17 =	simm.s32 $0x8080;
	[smem:$0x7FF] =	sst s3  }
0xb: {  	s28 =	simm.s32 $0xD080;
	_ =	strace $0x80000047;
	[dreg:$0x6] =	wrdreg s20  }
0xc: {  	s29 =	simm.s32 $0xD880;
	s30 =	simm.s32 $0xE080;
	[dreg:$0x7] =	wrdreg s21  }
0xd: {  	s31 =	simm.s32 $0xE880;
	s2 =	ssub.s32 $0x2, s2;
	[dreg:$0x8] =	wrdreg s22  }
0xe: {  	s7 =	sshll.u32 s6, $0x4;
	s6 =	smul.u32 $0x1E00, s6;
	[dreg:$0x9] =	wrdreg s23  }
0xf: {  	s19 =	sshrl.u32 s2, $0x1;
	s4 =	sadd.s32 s7, s4;
	[dreg:$0xa] =	wrdreg s24  }
0x10: {  	s2 =	ssub.s32 s2, s19;
	s7 =	simm.s32 $0x2;
	[dreg:$0xb] =	wrdreg s25  }
0x11: {  	[dreg:$0xc] =	wrdreg s26;
	s19 =	simm.s32 $0x9080;
	s20 =	simm.s32 $0x9880  }
0x12: {  	s21 =	simm.s32 $0xA080;
	s22 =	simm.s32 $0xA880;
	s23 =	simm.s32 $0xB080  }
0x13: {  	s24 =	simm.s32 $0xB880;
	s25 =	simm.s32 $0xC080;
	s26 =	simm.s32 $0xC880  }
0x14: {  	v2 =	vlaneseq.u32;
	s4 =	sadd.s32 $0xC00, s4;
	s18 =	sadd.s32 s5, s6;
	s5 =	sadd.s32 $0x200, s1  }
0x15: {  	vm0 =	vmmov $0xffff;
	v1 =	vshrl.u32 v2, $0x3;
	s6 =	smax.u32 s2, $0x1;
	s2 =	simm.s32 $0x1;
	[dreg:$0x4] =	wrdreg s4  }
0x16: {  	v0 =	vand.u32 $0x7, v2;
	v2 =	vor.u32 $0x8, v2;
	v1 =	vmul.u32 $0x8, v1;
	[dreg:$0x5] =	wrdreg s18;
	s4 =	sadd.s32 $0x100, s1;
	s18 =	simm.s32 $0x8880  }
.LBB2_1:
0x17: {  	s0 =	rddreg [dreg:$0x4]  }
0x18: {  	[tilespmem:s3], [sflag:$0x2] =	stream.linear.gather [hbm4b:s0+s3], $0x80, $0x38;
	[tilespmem:$0xF080] =	vst v63  }
0x19: {  	_ =	swait.ge [sflag:s7], $0x80  }
0x1a: {  	[sflag:s7] =	ssyncset.done $0x0  }
0x1b: {  	[sflag:s7] =	ssyncadd.s32 $0xFFFFFF80  }
0x1c: {  	v3 =	vld [tilespmem:$0x0];
	_ =	sdelay $0x4  }
0x1d: {  	v4 =	vshrl.u32 v3, $0x3  }
0x1e: {  	v4 =	vmul.u32 $0x30, v4  }
0x1f: {  	v3 =	vand.u32 $0x7, v3  }
0x20: {  	v3 =	vor.u32 v3, v4  }
0x21: {  	v4 =	vperm.xlane v3, v0;
	_ =	sdelay $0x1  }
0x22: {  	v4 =	vadd.s32 v1, v4;
	_ =	sdelay $0x3  }
0x23: {  	v3 =	vperm.xlane v3, v2  }
0x24: {  	[tilespmem:s8], [sflag:$0x1] =	stream.indirect_vreg.gather [hbm4b:s1+s3], $0x80, v4, vm0, $0xb8;
	[tilespmem:$0xF080] =	vst v63  }
0x25: {  	s0 =	rddreg [dreg:$0x6];
	v3 =	vadd.s32 v1, v3  }
0x26: {  	[tilespmem:s0], [sflag:$0x1] =	stream.indirect_vreg.gather [hbm4b:s4+s3], $0x80, v4, vm0, $0xb8;
	[tilespmem:$0xF080] =	vst v63  }
0x27: {  	s9 =	rddreg [dreg:$0x7]  }
0x28: {  	[tilespmem:s9], [sflag:$0x1] =	stream.indirect_vreg.gather [hbm4b:s5+s3], $0x80, v4, vm0, $0xb8;
	[tilespmem:$0xF080] =	vst v63  }
0x29: {  	s0 =	rddreg [dreg:$0x8]  }
0x2a: {  	[tilespmem:s0], [sflag:$0x1] =	stream.indirect_vreg.gather [hbm4b:s1+s3], $0x80, v3, vm0, $0xb8;
	[tilespmem:$0xF080] =	vst v63  }
0x2b: {  	s9 =	rddreg [dreg:$0x9]  }
0x2c: {  	[tilespmem:s9], [sflag:$0x1] =	stream.indirect_vreg.gather [hbm4b:s4+s3], $0x80, v3, vm0, $0xb8;
	[tilespmem:$0xF080] =	vst v63  }
0x2d: {  	s0 =	rddreg [dreg:$0xa]  }
0x2e: {  	[tilespmem:s0], [sflag:$0x1] =	stream.indirect_vreg.gather [hbm4b:s5+s3], $0x80, v3, vm0, $0xb8;
	[tilespmem:$0xF080] =	vst v63  }
0x2f: {  	v3 =	vld [tilespmem:$0x10];
	_ =	sdelay $0x4  }
0x30: {  	v60 =	vshrl.u32 v3, $0x3  }
0x31: {  	v4 =	vmul.u32 $0x30, v60  }
0x32: {  	v3 =	vand.u32 $0x7, v3  }
0x33: {  	v3 =	vor.u32 v3, v4  }
0x34: {  	v4 =	vperm.xlane v3, v0;
	_ =	sdelay $0x1  }
0x35: {  	v4 =	vadd.s32 v1, v4;
	_ =	sdelay $0x3  }
0x36: {  	s0 =	rddreg [dreg:$0xb];
	v3 =	vperm.xlane v3, v2  }
0x37: {  	[tilespmem:s0], [sflag:$0x1] =	stream.indirect_vreg.gather [hbm4b:s1+s3], $0x80, v4, vm0, $0xb8;
	[tilespmem:$0xF080] =	vst v63  }
0x38: {  	s9 =	rddreg [dreg:$0xc];
	v3 =	vadd.s32 v1, v3  }
0x39: {  	[tilespmem:s9], [sflag:$0x1] =	stream.indirect_vreg.gather [hbm4b:s4+s3], $0x80, v4, vm0, $0xb8;
	[tilespmem:$0xF080] =	vst v63  }
0x3a: {  	s9 =	simm.s32 $0x4080  }
0x3b: {  	[tilespmem:s9], [sflag:$0x1] =	stream.indirect_vreg.gather [hbm4b:s5+s3], $0x80, v4, vm0, $0xb8;
	[tilespmem:$0xF080] =	vst v63  }
0x3c: {  	_ = 	snop  }
0x3d: {  	[tilespmem:s10], [sflag:$0x1] =	stream.indirect_vreg.gather [hbm4b:s1+s3], $0x80, v3, vm0, $0xb8;
	[tilespmem:$0xF080] =	vst v63  }
0x3e: {  	_ = 	snop  }
0x3f: {  	[tilespmem:s11], [sflag:$0x1] =	stream.indirect_vreg.gather [hbm4b:s4+s3], $0x80, v3, vm0, $0xb8;
	[tilespmem:$0xF080] =	vst v63  }
0x40: {  	_ = 	snop  }
0x41: {  	[tilespmem:s12], [sflag:$0x1] =	stream.indirect_vreg.gather [hbm4b:s5+s3], $0x80, v3, vm0, $0xb8;
	[tilespmem:$0xF080] =	vst v63  }
0x42: {  	v3 =	vld [tilespmem:$0x20];
	_ =	sdelay $0x4  }
0x43: {  	v61 =	vshrl.u32 v3, $0x3  }
0x44: {  	v4 =	vmul.u32 $0x30, v61  }
0x45: {  	v3 =	vand.u32 $0x7, v3  }
0x46: {  	v3 =	vor.u32 v3, v4  }
0x47: {  	v4 =	vperm.xlane v3, v0;
	_ =	sdelay $0x1  }
0x48: {  	v4 =	vadd.s32 v1, v4;
	_ =	sdelay $0x3  }
0x49: {  	v3 =	vperm.xlane v3, v2  }
0x4a: {  	[tilespmem:s13], [sflag:$0x1] =	stream.indirect_vreg.gather [hbm4b:s1+s3], $0x80, v4, vm0, $0xb8;
	[tilespmem:$0xF080] =	vst v63  }
0x4b: {  	v3 =	vadd.s32 v1, v3  }
0x4c: {  	[tilespmem:s14], [sflag:$0x1] =	stream.indirect_vreg.gather [hbm4b:s4+s3], $0x80, v4, vm0, $0xb8;
	[tilespmem:$0xF080] =	vst v63  }
0x4d: {  	_ = 	snop  }
0x4e: {  	[tilespmem:s15], [sflag:$0x1] =	stream.indirect_vreg.gather [hbm4b:s5+s3], $0x80, v4, vm0, $0xb8;
	[tilespmem:$0xF080] =	vst v63  }
0x4f: {  	_ = 	snop  }
0x50: {  	[tilespmem:s16], [sflag:$0x1] =	stream.indirect_vreg.gather [hbm4b:s1+s3], $0x80, v3, vm0, $0xb8;
	[tilespmem:$0xF080] =	vst v63  }
0x51: {  	_ = 	snop  }
0x52: {  	[tilespmem:s17], [sflag:$0x1] =	stream.indirect_vreg.gather [hbm4b:s4+s3], $0x80, v3, vm0, $0xb8;
	[tilespmem:$0xF080] =	vst v63  }
0x53: {  	_ = 	snop  }
0x54: {  	[tilespmem:s18], [sflag:$0x1] =	stream.indirect_vreg.gather [hbm4b:s5+s3], $0x80, v3, vm0, $0xb8;
	[tilespmem:$0xF080] =	vst v63  }
0x55: {  	v3 =	vld [tilespmem:$0x30];
	_ =	sdelay $0x4  }
0x56: {  	v62 =	vshrl.u32 v3, $0x3  }
0x57: {  	v4 =	vmul.u32 $0x30, v62  }
0x58: {  	v3 =	vand.u32 $0x7, v3  }
0x59: {  	v3 =	vor.u32 v3, v4  }
0x5a: {  	v4 =	vperm.xlane v3, v0;
	_ =	sdelay $0x1  }
0x5b: {  	v4 =	vadd.s32 v1, v4;
	_ =	sdelay $0x3  }
0x5c: {  	v3 =	vperm.xlane v3, v2  }
0x5d: {  	[tilespmem:s19], [sflag:$0x1] =	stream.indirect_vreg.gather [hbm4b:s1+s3], $0x80, v4, vm0, $0xb8;
	[tilespmem:$0xF080] =	vst v63  }
0x5e: {  	v3 =	vadd.s32 v1, v3  }
0x5f: {  	[tilespmem:s20], [sflag:$0x1] =	stream.indirect_vreg.gather [hbm4b:s4+s3], $0x80, v4, vm0, $0xb8;
	[tilespmem:$0xF080] =	vst v63  }
0x60: {  	_ = 	snop  }
0x61: {  	[tilespmem:s21], [sflag:$0x1] =	stream.indirect_vreg.gather [hbm4b:s5+s3], $0x80, v4, vm0, $0xb8;
	[tilespmem:$0xF080] =	vst v63  }
0x62: {  	_ = 	snop  }
0x63: {  	[tilespmem:s22], [sflag:$0x1] =	stream.indirect_vreg.gather [hbm4b:s1+s3], $0x80, v3, vm0, $0xb8;
	[tilespmem:$0xF080] =	vst v63  }
0x64: {  	_ = 	snop  }
0x65: {  	[tilespmem:s23], [sflag:$0x1] =	stream.indirect_vreg.gather [hbm4b:s4+s3], $0x80, v3, vm0, $0xb8;
	[tilespmem:$0xF080] =	vst v63  }
0x66: {  	_ = 	snop  }
0x67: {  	[tilespmem:s24], [sflag:$0x1] =	stream.indirect_vreg.gather [hbm4b:s5+s3], $0x80, v3, vm0, $0xb8;
	[tilespmem:$0xF080] =	vst v63  }
0x68: {  	v3 =	vld [tilespmem:$0x40];
	_ =	sdelay $0x4  }
0x69: {  	v63 =	vshrl.u32 v3, $0x3  }
0x6a: {  	v4 =	vmul.u32 $0x30, v63  }
0x6b: {  	v3 =	vand.u32 $0x7, v3  }
0x6c: {  	v3 =	vor.u32 v3, v4  }
0x6d: {  	v4 =	vperm.xlane v3, v0;
	_ =	sdelay $0x1  }
0x6e: {  	v4 =	vadd.s32 v1, v4;
	_ =	sdelay $0x3  }
0x6f: {  	v3 =	vperm.xlane v3, v2  }
0x70: {  	[tilespmem:s25], [sflag:$0x1] =	stream.indirect_vreg.gather [hbm4b:s1+s3], $0x80, v4, vm0, $0xb8;
	[tilespmem:$0xF080] =	vst v63  }
0x71: {  	v3 =	vadd.s32 v1, v3  }
0x72: {  	[tilespmem:s26], [sflag:$0x1] =	stream.indirect_vreg.gather [hbm4b:s4+s3], $0x80, v4, vm0, $0xb8;
	[tilespmem:$0xF080] =	vst v63  }
0x73: {  	_ = 	snop  }
0x74: {  	[tilespmem:s28], [sflag:$0x1] =	stream.indirect_vreg.gather [hbm4b:s5+s3], $0x80, v4, vm0, $0xb8;
	[tilespmem:$0xF080] =	vst v63  }
0x75: {  	_ = 	snop  }
0x76: {  	[tilespmem:s29], [sflag:$0x1] =	stream.indirect_vreg.gather [hbm4b:s1+s3], $0x80, v3, vm0, $0xb8;
	[tilespmem:$0xF080] =	vst v63  }
0x77: {  	_ = 	snop  }
0x78: {  	[tilespmem:s30], [sflag:$0x1] =	stream.indirect_vreg.gather [hbm4b:s4+s3], $0x80, v3, vm0, $0xb8;
	[tilespmem:$0xF080] =	vst v63  }
0x79: {  	_ = 	snop  }
0x7a: {  	[tilespmem:s31], [sflag:$0x1] =	stream.indirect_vreg.gather [hbm4b:s5+s3], $0x80, v3, vm0, $0xb8;
	[tilespmem:$0xF080] =	vst v63  }
0x7b: {  	_ =	swait.ge [sflag:s2], $0xF000  }
0x7c: {  	p0 =	sne.s32 s6, $0x1;
	[sflag:s2] =	ssyncset.done $0x0  }
.Ltmp0:
0x7d: {  	s9 =	rddreg [dreg:$0x5];
	[sflag:s2] =	ssyncadd.s32 $0xFFFF1000;
	(pc) =	sbr.rel @p0 .LBB2_1-.Ltmp0, $4  }
0x7e: {  	[hbm4b:s9+s3] =	stream.linear.scatter [tilespmem:s8], [sflag:$0x2], $0xF000, $0x38;
	[tilespmem:$0xF080] =	vst v63  }
0x7f: {  	_ =	swait.ge [sflag:s7], $0xF000  }
0x80: {  	[sflag:s7] =	ssyncset.done $0x0  }
0x81: {  	s6 =	sadd.s32 $0xFFFFFFFF, s6;
	[sflag:s7] =	ssyncadd.s32 $0xFFFF1000  }
0x82: {  	_ =	sfence.sel $0x180000  }
0x83: {  	[bflag:$0x0] =	sbarrier.arrive $0xFFFF  }
0x84: {  	_ =	strace $0x90000047  }
0x85: {  	s0 =	stileid.u32;
	[bflag:$0x2] =	sbarrier.arrive $0xFFFF  }
0x86: {  	p0 =	sne.s32 s0, $0x0;
	s0 =	rddreg [dreg:$0x3]  }
0x87: {  	s0 =	sadd.s32 @!p0 $0x100000, s0  }
0x88: {  	[sflag:s0] =	ssyncadd.tile.s32 @!p0 $0x1;
	_ =	shalt  }
.Lfunc_end2:
_tile_overlayer_lowered:
.L_overlay_start_2:
0x89: {  	(tag) =	ssettag $0x2  }
0x8a: {  	s0 =	rddreg [dreg:$0x0];
	s2 =	stileid.u32  }
0x8b: {  	s1 =	rddreg [dreg:$0x1];
	p0 =	sne.s32 s2, $0x0  }
0x8c: {  	s3 =	rddreg [dreg:$0x2];
	[bflag:$0x3] =	sbarrier.arrive $0xFFFF;
	s2 =	simm.s32 @!p0 $0x1C02  }
0x8d: {  	[timem:s3], [sflag:s2] =	dma.local @!p0 [hbm:s0], s1  }
0x8e: {  	s0 =	simm.s32 @!p0 $0x2  }
0x8f: {  	_ =	swait.ge @!p0 [sflag:s0], s1  }
0x90: {  	s1 =	ssub.s32 @!p0 $0x0, s1;
	[sflag:s0] =	ssyncset.done @!p0 $0x0  }
0x91: {  	[sflag:s0] =	ssyncadd.s32 @!p0 s1  }
0x92: {  	[bflag:$0x3] =	sbarrier.arrive $0xFFFF  }
0x93: {  	_ =	shalt  }

</sc_bundles>
